<compile_context>
chip_gen: v7x
topology: tpu7x:2x2x1
jax: 0.10.2.dev20260603
libtpu: 0.0.44.dev20260713+nightly
codegen_flags: <defaults>
</compile_context>

<pallas_src>
import functools

import jax
import jax.numpy as jnp
from jax import lax
from jax.experimental import pallas as pl
from jax.experimental.pallas import tpu as pltpu
from jax.experimental.pallas import tpu_sc as plsc

VOCAB_ROWS = 100000
DIM = 300
TAIL_AT = 256
NUM_CORES = 2
NUM_SUBCORES = 16
NUM_WORKERS = NUM_CORES * NUM_SUBCORES
CHUNK = 80


@functools.partial(jax.jit, static_argnames=("total_rows",))
def _gather_rows(tokens_flat, table, tail_tab, *, total_rows):
    rows_per_worker = total_rows // NUM_WORKERS
    n_chunks = rows_per_worker // CHUNK
    mesh = plsc.VectorSubcoreMesh(core_axis_name="c", subcore_axis_name="s")

    @functools.partial(
        pl.kernel,
        mesh=mesh,
        out_type=jax.ShapeDtypeStruct((total_rows, DIM), jnp.float32),
        compiler_params=pltpu.CompilerParams(
            use_tc_tiling_on_sc=True, needs_layout_passes=False),
        scratch_types=[
            pltpu.VMEM((3, CHUNK), jnp.int32),
            pltpu.VMEM((3, CHUNK, DIM), jnp.float32),
            pltpu.VMEM((3, CHUNK, 128), jnp.float32),
            pltpu.SemaphoreType.DMA,
            pltpu.SemaphoreType.DMA,
            pltpu.SemaphoreType.DMA,
            pltpu.SemaphoreType.DMA,
            pltpu.SemaphoreType.DMA,
            pltpu.SemaphoreType.DMA,
            pltpu.SemaphoreType.DMA,
        ],
    )
    def body(tokens_hbm, table_hbm, tail_hbm, out_hbm, idx_v, rows_v, tail_v,
             idx_sem, g_sem0, g_sem1, g_sem2, st_sem0, st_sem1, st_sem2):
        wid = lax.axis_index("s") * NUM_CORES + lax.axis_index("c")
        base = wid * rows_per_worker
        g_sems = (g_sem0, g_sem1, g_sem2)
        st_sems = (st_sem0, st_sem1, st_sem2)

        def load_idx(g, slot):
            off = base + g * CHUNK
            pltpu.async_copy(tokens_hbm.at[pl.ds(off, CHUNK)],
                             idx_v.at[slot], idx_sem)

        def start_gathers(slot, gs):
            idx = idx_v.at[slot]
            pltpu.async_copy(table_hbm.at[:, pl.ds(0, 128)].at[idx],
                             rows_v.at[slot].at[:, pl.ds(0, 128)], gs)
            pltpu.async_copy(table_hbm.at[:, pl.ds(128, 128)].at[idx],
                             rows_v.at[slot].at[:, pl.ds(128, 128)], gs)
            pltpu.async_copy(tail_hbm.at[idx], tail_v.at[slot], gs)

        def wait_gathers(slot, gs):
            cp = pltpu.make_async_copy(tail_hbm.at[idx_v.at[slot]],
                                       tail_v.at[slot], gs)
            cp.wait()
            cp.wait()
            cp.wait()

        def fixup(slot):
            col = lax.iota(jnp.int32, 16) + (TAIL_AT + 32)
            msk = col < DIM

            def row_fix(j, c):
                for k in range(2):
                    rows_v[slot, j, pl.ds(TAIL_AT + 16 * k, 16)] = (
                        tail_v[slot, j, pl.ds(16 * k, 16)])
                v = tail_v[slot, j, pl.ds(32, 16)]
                plsc.store_scatter(
                    rows_v.at[slot],
                    [jnp.full((16,), j, jnp.int32), col], v, mask=msk)
                return c

            lax.fori_loop(0, CHUNK, row_fix, 0)

        def start_store(g, slot, ss):
            off = base + g * CHUNK
            pltpu.async_copy(rows_v.at[slot], out_hbm.at[pl.ds(off, CHUNK)], ss)

        def wait_store(g, slot, ss):
            off = base + g * CHUNK
            pltpu.make_async_copy(rows_v.at[slot],
                                  out_hbm.at[pl.ds(off, CHUNK)], ss).wait()

        load_idx(0, 0)
        pltpu.make_async_copy(tokens_hbm.at[pl.ds(base, CHUNK)],
                              idx_v.at[0], idx_sem).wait()
        start_gathers(0, g_sems[0])
        load_idx(1, 1)

        def step(g, carry):
            p = lax.rem(g, 3)

            def with_slot(p_static):
                q = (p_static + 1) % 3
                r = (p_static + 2) % 3
                @pl.when(g < n_chunks - 1)
                def _():
                    pltpu.make_async_copy(
                        tokens_hbm.at[pl.ds(base, CHUNK)],
                        idx_v.at[q], idx_sem).wait()

                    @pl.when(g >= 2)
                    def _():
                        wait_store(g - 2, q, st_sems[q])

                    start_gathers(q, g_sems[q])

                @pl.when(g < n_chunks - 2)
                def _():
                    load_idx(g + 2, r)

                wait_gathers(p_static, g_sems[p_static])
                fixup(p_static)
                start_store(g, p_static, st_sems[p_static])

            lax.switch(p, [lambda: with_slot(0), lambda: with_slot(1),
                           lambda: with_slot(2)])
            return carry

        lax.fori_loop(0, n_chunks, step, 0)
        wait_store(n_chunks - 3, (n_chunks - 3) % 3,
                   st_sems[(n_chunks - 3) % 3])
        wait_store(n_chunks - 2, (n_chunks - 2) % 3,
                   st_sems[(n_chunks - 2) % 3])
        wait_store(n_chunks - 1, (n_chunks - 1) % 3,
                   st_sems[(n_chunks - 1) % 3])

    return body(tokens_flat, table, tail_tab)


def kernel(tokens, table):
    batch, seq = tokens.shape
    total_rows = batch * seq
    tail_tab = jnp.pad(table[:, TAIL_AT:], ((0, 0), (0, 128 - (DIM - TAIL_AT))))
    out = _gather_rows(tokens.reshape(total_rows), table, tail_tab,
                       total_rows=total_rows)
    return out.reshape(batch, seq, DIM)

# --- scband reference (transcript-rebuilt; emitter-appended) ---
"""Pipeline reference for scband-pretrained-token-embedding-1743756722309 (READ-ONLY COPY).

The authoritative reference and input builder live on the scoring server;
editing this copy changes nothing except your own understanding.
"""

import jax, jax.numpy as jnp
import numpy as np

VOCAB = 100000
EMBED_DIM = 300
BATCH = 4096
SEQ = 200


def setup_inputs(seed: int = 0) -> dict:
    key = jax.random.key(seed)
    k_idx, k_tab = jax.random.split(key)
    tokens = jax.random.randint(k_idx, (BATCH, SEQ), 0, VOCAB, dtype=jnp.int32)
    # Pretrained GloVe-style embedding table (vocab_size x 300), stands in for Vocab.vectors
    table = jax.random.normal(k_tab, (VOCAB, EMBED_DIM), dtype=jnp.float32) * 0.1
    return {"tokens": tokens, "table": table}


def reference(tokens, table):
    # Faithful translation: stoi mapping is modeled as precomputed integer token ids;
    # nn.Embedding(idx) == row gather from the pretrained table.
    return jnp.take(table, tokens, axis=0)

if __name__ == "__main__":
    import jax
    _d = setup_inputs()
    print(jax.jit(kernel)(*tuple(_d.values())))

</pallas_src>

<mosaic_0001>
#map = affine_map<(d0, d1) -> (0)>
#map1 = affine_map<(d0, d1) -> (0, 0)>
module attributes {stable_mosaic.version = 14 : i64} {
  func.func @body(%arg0: i32, %arg1: i32, %arg2: memref<819200xi32, #tpu.memory_space<hbm>>, %arg3: memref<100000x300xf32, #tpu.memory_space<hbm>>, %arg4: memref<100000x128xf32, #tpu.memory_space<hbm>>, %arg5: memref<819200x300xf32, #tpu.memory_space<hbm>>, %arg6: memref<3x80xi32, #tpu.memory_space<vmem>>, %arg7: memref<3x80x300xf32, #tpu.memory_space<vmem>>, %arg8: memref<3x80x128xf32, #tpu.memory_space<vmem>>, %arg9: memref<!tpu.dma_semaphore, #tpu.memory_space<semaphore_mem>>, %arg10: memref<!tpu.dma_semaphore, #tpu.memory_space<semaphore_mem>>, %arg11: memref<!tpu.dma_semaphore, #tpu.memory_space<semaphore_mem>>, %arg12: memref<!tpu.dma_semaphore, #tpu.memory_space<semaphore_mem>>, %arg13: memref<!tpu.dma_semaphore, #tpu.memory_space<semaphore_mem>>, %arg14: memref<!tpu.dma_semaphore, #tpu.memory_space<semaphore_mem>>, %arg15: memref<!tpu.dma_semaphore, #tpu.memory_space<semaphore_mem>>) attributes {dimension_semantics = [#tpu.dimension_semantics<core_parallel>, #tpu.dimension_semantics<subcore_parallel>], iteration_bounds = array<i64: 2, 16>, scalar_prefetch = 0 : i64, scratch_operands = 10 : i64, tpu.core_type = #tpu.core_type<sc_vector_subcore>, window_params = [{transform_indices = #map}, {transform_indices = #map1}, {transform_indices = #map1}, {transform_indices = #map1}]} {
    %mul3A = arith.constant 2 : i32
    %mul3A_0 = arith.muli %arg1, %mul3A : i32
    %add3A = arith.addi %mul3A_0, %arg0 : i32
    %mul3A_1 = arith.constant 25600 : i32
    %mul3A_2 = arith.muli %add3A, %mul3A_1 : i32
    %add3A_3 = arith.constant 0 : i32
    %add3A_4 = arith.addi %mul3A_2, %add3A_3 : i32
    %dma_start3A = arith.constant 0 : i32
    %dma_start3A_5 = arith.constant 0 : i32
    %dma_start3A_6 = tpu.memref_slice %arg6[%dma_start3A, %dma_start3A_5] : memref<3x80xi32, #tpu.memory_space<vmem>> -> memref<1x80xi32, #tpu.memory_space<vmem>>
    %dma_start3A_7 = tpu.memref_squeeze %dma_start3A_6 : memref<1x80xi32, #tpu.memory_space<vmem>> -> memref<80xi32, #tpu.memory_space<vmem>>
    %dma_start3A_8 = tpu.memref_slice %arg2[%add3A_4] : memref<819200xi32, #tpu.memory_space<hbm>> -> memref<80xi32, #tpu.memory_space<hbm>>
    %dma_start3A_9 = arith.constant 0 : i32
    %dma_start3A_10 = tpu.memref_slice %arg6[%dma_start3A, %dma_start3A_9] : memref<3x80xi32, #tpu.memory_space<vmem>> -> memref<1x80xi32, #tpu.memory_space<vmem>>
    %dma_start3A_11 = tpu.memref_squeeze %dma_start3A_10 : memref<1x80xi32, #tpu.memory_space<vmem>> -> memref<80xi32, #tpu.memory_space<vmem>>
    %dma_start3A_12 = tpu.memref_slice %arg2[%add3A_4] : memref<819200xi32, #tpu.memory_space<hbm>> -> memref<80xi32, #tpu.memory_space<hbm>>
    tpu.enqueue_dma source(%dma_start3A_12 : memref<80xi32, #tpu.memory_space<hbm>>) target(%dma_start3A_11 : memref<80xi32, #tpu.memory_space<vmem>>) target_semaphore(%arg9 : memref<!tpu.dma_semaphore, #tpu.memory_space<semaphore_mem>>)
    %dma_wait3A = arith.constant 0 : i32
    %dma_wait3A_13 = arith.constant 0 : i32
    %dma_wait3A_14 = tpu.memref_slice %arg6[%dma_wait3A, %dma_wait3A_13] : memref<3x80xi32, #tpu.memory_space<vmem>> -> memref<1x80xi32, #tpu.memory_space<vmem>>
    %dma_wait3A_15 = tpu.memref_squeeze %dma_wait3A_14 : memref<1x80xi32, #tpu.memory_space<vmem>> -> memref<80xi32, #tpu.memory_space<vmem>>
    %dma_wait3A_16 = tpu.memref_slice %arg2[%mul3A_2] : memref<819200xi32, #tpu.memory_space<hbm>> -> memref<80xi32, #tpu.memory_space<hbm>>
    %dma_wait3A_17 = arith.constant 0 : i32
    %dma_wait3A_18 = tpu.memref_slice %arg6[%dma_wait3A, %dma_wait3A_17] : memref<3x80xi32, #tpu.memory_space<vmem>> -> memref<1x80xi32, #tpu.memory_space<vmem>>
    %dma_wait3A_19 = tpu.memref_squeeze %dma_wait3A_18 : memref<1x80xi32, #tpu.memory_space<vmem>> -> memref<80xi32, #tpu.memory_space<vmem>>
    %dma_wait3A_20 = tpu.memref_slice %arg2[%mul3A_2] : memref<819200xi32, #tpu.memory_space<hbm>> -> memref<80xi32, #tpu.memory_space<hbm>>
    tpu.wait_dma2 semaphore(%arg9 : memref<!tpu.dma_semaphore, #tpu.memory_space<semaphore_mem>>) src(%dma_wait3A_20 : memref<80xi32, #tpu.memory_space<hbm>>) dst(%dma_wait3A_19 : memref<80xi32, #tpu.memory_space<vmem>>)
    %dma_start3A_21 = arith.constant 0 : i32
    %dma_start3A_22 = arith.constant 0 : i32
    %dma_start3A_23 = arith.constant 0 : i32
    %dma_start3A_24 = arith.constant 0 : i32
    %dma_start3A_25 = tpu.memref_slice %arg7[%dma_start3A_22, %dma_start3A_23, %dma_start3A_24] : memref<3x80x300xf32, #tpu.memory_space<vmem>> -> memref<1x80x300xf32, #tpu.memory_space<vmem>>
    %dma_start3A_26 = tpu.memref_squeeze %dma_start3A_25 : memref<1x80x300xf32, #tpu.memory_space<vmem>> -> memref<80x300xf32, #tpu.memory_space<vmem>>
    %dma_start3A_27 = arith.constant 0 : i32
    %dma_start3A_28 = arith.constant 0 : i32
    %dma_start3A_29 = tpu.memref_slice %dma_start3A_26[%dma_start3A_27, %dma_start3A_28] : memref<80x300xf32, #tpu.memory_space<vmem>> -> memref<80x128xf32, #tpu.memory_space<vmem>>
    %dma_start3A_30 = arith.constant 0 : i32
    %dma_start3A_31 = tpu.memref_slice %arg6[%dma_start3A_21, %dma_start3A_30] : memref<3x80xi32, #tpu.memory_space<vmem>> -> memref<1x80xi32, #tpu.memory_space<vmem>>
    %dma_start3A_32 = tpu.memref_squeeze %dma_start3A_31 : memref<1x80xi32, #tpu.memory_space<vmem>> -> memref<80xi32, #tpu.memory_space<vmem>>
    %dma_start3A_33 = arith.constant 0 : i32
    %dma_start3A_34 = arith.constant 0 : i32
    %dma_start3A_35 = tpu.memref_slice %arg3[%dma_start3A_33, %dma_start3A_34] : memref<100000x300xf32, #tpu.memory_space<hbm>> -> memref<100000x128xf32, #tpu.memory_space<hbm>>
    %dma_start3A_36 = arith.constant 0 : i32
    %dma_start3A_37 = arith.constant 0 : i32
    %dma_start3A_38 = tpu.memref_slice %dma_start3A_35[%dma_start3A_36, %dma_start3A_37] : memref<100000x128xf32, #tpu.memory_space<hbm>> -> memref<100000x128xf32, #tpu.memory_space<hbm>>
    tpu.enqueue_indirect_dma source(%dma_start3A_38 : memref<100000x128xf32, #tpu.memory_space<hbm>>) target(%dma_start3A_29 : memref<80x128xf32, #tpu.memory_space<vmem>>) offsets(%dma_start3A_32 : memref<80xi32, #tpu.memory_space<vmem>>) semaphore(%arg10 : memref<!tpu.dma_semaphore, #tpu.memory_space<semaphore_mem>>)
    %dma_start3A_39 = arith.constant 0 : i32
    %dma_start3A_40 = arith.constant 0 : i32
    %dma_start3A_41 = arith.constant 0 : i32
    %dma_start3A_42 = arith.constant 0 : i32
    %dma_start3A_43 = tpu.memref_slice %arg7[%dma_start3A_40, %dma_start3A_41, %dma_start3A_42] : memref<3x80x300xf32, #tpu.memory_space<vmem>> -> memref<1x80x300xf32, #tpu.memory_space<vmem>>
    %dma_start3A_44 = tpu.memref_squeeze %dma_start3A_43 : memref<1x80x300xf32, #tpu.memory_space<vmem>> -> memref<80x300xf32, #tpu.memory_space<vmem>>
    %dma_start3A_45 = arith.constant 0 : i32
    %dma_start3A_46 = arith.constant 128 : i32
    %dma_start3A_47 = tpu.memref_slice %dma_start3A_44[%dma_start3A_45, %dma_start3A_46] : memref<80x300xf32, #tpu.memory_space<vmem>> -> memref<80x128xf32, #tpu.memory_space<vmem>>
    %dma_start3A_48 = arith.constant 0 : i32
    %dma_start3A_49 = tpu.memref_slice %arg6[%dma_start3A_39, %dma_start3A_48] : memref<3x80xi32, #tpu.memory_space<vmem>> -> memref<1x80xi32, #tpu.memory_space<vmem>>
    %dma_start3A_50 = tpu.memref_squeeze %dma_start3A_49 : memref<1x80xi32, #tpu.memory_space<vmem>> -> memref<80xi32, #tpu.memory_space<vmem>>
    %dma_start3A_51 = arith.constant 0 : i32
    %dma_start3A_52 = arith.constant 128 : i32
    %dma_start3A_53 = tpu.memref_slice %arg3[%dma_start3A_51, %dma_start3A_52] : memref<100000x300xf32, #tpu.memory_space<hbm>> -> memref<100000x128xf32, #tpu.memory_space<hbm>>
    %dma_start3A_54 = arith.constant 0 : i32
    %dma_start3A_55 = arith.constant 0 : i32
    %dma_start3A_56 = tpu.memref_slice %dma_start3A_53[%dma_start3A_54, %dma_start3A_55] : memref<100000x128xf32, #tpu.memory_space<hbm>> -> memref<100000x128xf32, #tpu.memory_space<hbm>>
    tpu.enqueue_indirect_dma source(%dma_start3A_56 : memref<100000x128xf32, #tpu.memory_space<hbm>>) target(%dma_start3A_47 : memref<80x128xf32, #tpu.memory_space<vmem>>) offsets(%dma_start3A_50 : memref<80xi32, #tpu.memory_space<vmem>>) semaphore(%arg10 : memref<!tpu.dma_semaphore, #tpu.memory_space<semaphore_mem>>)
    %dma_start3A_57 = arith.constant 0 : i32
    %dma_start3A_58 = arith.constant 0 : i32
    %dma_start3A_59 = arith.constant 0 : i32
    %dma_start3A_60 = arith.constant 0 : i32
    %dma_start3A_61 = tpu.memref_slice %arg8[%dma_start3A_58, %dma_start3A_59, %dma_start3A_60] : memref<3x80x128xf32, #tpu.memory_space<vmem>> -> memref<1x80x128xf32, #tpu.memory_space<vmem>>
    %dma_start3A_62 = tpu.memref_squeeze %dma_start3A_61 : memref<1x80x128xf32, #tpu.memory_space<vmem>> -> memref<80x128xf32, #tpu.memory_space<vmem>>
    %dma_start3A_63 = arith.constant 0 : i32
    %dma_start3A_64 = tpu.memref_slice %arg6[%dma_start3A_57, %dma_start3A_63] : memref<3x80xi32, #tpu.memory_space<vmem>> -> memref<1x80xi32, #tpu.memory_space<vmem>>
    %dma_start3A_65 = tpu.memref_squeeze %dma_start3A_64 : memref<1x80xi32, #tpu.memory_space<vmem>> -> memref<80xi32, #tpu.memory_space<vmem>>
    %dma_start3A_66 = arith.constant 0 : i32
    %dma_start3A_67 = arith.constant 0 : i32
    %dma_start3A_68 = tpu.memref_slice %arg4[%dma_start3A_66, %dma_start3A_67] : memref<100000x128xf32, #tpu.memory_space<hbm>> -> memref<100000x128xf32, #tpu.memory_space<hbm>>
    tpu.enqueue_indirect_dma source(%dma_start3A_68 : memref<100000x128xf32, #tpu.memory_space<hbm>>) target(%dma_start3A_62 : memref<80x128xf32, #tpu.memory_space<vmem>>) offsets(%dma_start3A_65 : memref<80xi32, #tpu.memory_space<vmem>>) semaphore(%arg10 : memref<!tpu.dma_semaphore, #tpu.memory_space<semaphore_mem>>)
    %add3A_69 = arith.constant 80 : i32
    %add3A_70 = arith.addi %mul3A_2, %add3A_69 : i32
    %dma_start3A_71 = arith.constant 1 : i32
    %dma_start3A_72 = arith.constant 0 : i32
    %dma_start3A_73 = tpu.memref_slice %arg6[%dma_start3A_71, %dma_start3A_72] : memref<3x80xi32, #tpu.memory_space<vmem>> -> memref<1x80xi32, #tpu.memory_space<vmem>>
    %dma_start3A_74 = tpu.memref_squeeze %dma_start3A_73 : memref<1x80xi32, #tpu.memory_space<vmem>> -> memref<80xi32, #tpu.memory_space<vmem>>
    %dma_start3A_75 = tpu.memref_slice %arg2[%add3A_70] : memref<819200xi32, #tpu.memory_space<hbm>> -> memref<80xi32, #tpu.memory_space<hbm>>
    %dma_start3A_76 = arith.constant 0 : i32
    %dma_start3A_77 = tpu.memref_slice %arg6[%dma_start3A_71, %dma_start3A_76] : memref<3x80xi32, #tpu.memory_space<vmem>> -> memref<1x80xi32, #tpu.memory_space<vmem>>
    %dma_start3A_78 = tpu.memref_squeeze %dma_start3A_77 : memref<1x80xi32, #tpu.memory_space<vmem>> -> memref<80xi32, #tpu.memory_space<vmem>>
    %dma_start3A_79 = tpu.memref_slice %arg2[%add3A_70] : memref<819200xi32, #tpu.memory_space<hbm>> -> memref<80xi32, #tpu.memory_space<hbm>>
    tpu.enqueue_dma source(%dma_start3A_79 : memref<80xi32, #tpu.memory_space<hbm>>) target(%dma_start3A_78 : memref<80xi32, #tpu.memory_space<vmem>>) target_semaphore(%arg9 : memref<!tpu.dma_semaphore, #tpu.memory_space<semaphore_mem>>)
    %scan3A = arith.constant 0 : i32
    %scan3A_80 = arith.constant 0 : i32
    %scan3A_81 = arith.constant 320 : i32
    %scan3A_82 = arith.addi %scan3A_80, %scan3A_81 : i32
    %scan3A_83 = arith.constant 1 : i32
    scf.for %scan3A_130 = %scan3A_80 to %scan3A_82 step %scan3A_83  : i32 {
      %rem3A = arith.constant 3 : i32
      %rem3A_131 = arith.remsi %scan3A_130, %rem3A : i32
      %clamp3A = arith.constant 0 : i32
      %clamp3A_132 = arith.constant 2 : i32
      %clamp3A_133 = arith.maxsi %rem3A_131, %clamp3A : i32
      %clamp3A_134 = arith.minsi %clamp3A_133, %clamp3A_132 : i32
      %cond3A = arith.constant 0 : i32
      %cond3A_135 = arith.cmpi ne, %clamp3A_134, %cond3A : i32
      scf.if %cond3A_135 {
        %cond3A_136 = arith.constant 1 : i32
        %cond3A_137 = arith.subi %clamp3A_134, %cond3A_136 : i32
        %cond3A_138 = arith.constant 0 : i32
        %cond3A_139 = arith.cmpi ne, %cond3A_137, %cond3A_138 : i32
        scf.if %cond3A_139 {
          %lt3A = arith.constant 319 : i32
          %lt3A_140 = arith.cmpi slt, %scan3A_130, %lt3A : i32
          %convert_element_type3A = arith.extui %lt3A_140 : i1 to i32
          %cond3A_141 = arith.constant 0 : i32
          %cond3A_142 = arith.cmpi ne, %convert_element_type3A, %cond3A_141 : i32
          scf.if %cond3A_142 {
            %dma_wait3A_212 = arith.constant 0 : i32
            %dma_wait3A_213 = arith.constant 0 : i32
            %dma_wait3A_214 = tpu.memref_slice %arg6[%dma_wait3A_212, %dma_wait3A_213] : memref<3x80xi32, #tpu.memory_space<vmem>> -> memref<1x80xi32, #tpu.memory_space<vmem>>
            %dma_wait3A_215 = tpu.memref_squeeze %dma_wait3A_214 : memref<1x80xi32, #tpu.memory_space<vmem>> -> memref<80xi32, #tpu.memory_space<vmem>>
            %dma_wait3A_216 = tpu.memref_slice %arg2[%mul3A_2] : memref<819200xi32, #tpu.memory_space<hbm>> -> memref<80xi32, #tpu.memory_space<hbm>>
            %dma_wait3A_217 = arith.constant 0 : i32
            %dma_wait3A_218 = tpu.memref_slice %arg6[%dma_wait3A_212, %dma_wait3A_217] : memref<3x80xi32, #tpu.memory_space<vmem>> -> memref<1x80xi32, #tpu.memory_space<vmem>>
            %dma_wait3A_219 = tpu.memref_squeeze %dma_wait3A_218 : memref<1x80xi32, #tpu.memory_space<vmem>> -> memref<80xi32, #tpu.memory_space<vmem>>
            %dma_wait3A_220 = tpu.memref_slice %arg2[%mul3A_2] : memref<819200xi32, #tpu.memory_space<hbm>> -> memref<80xi32, #tpu.memory_space<hbm>>
            tpu.wait_dma2 semaphore(%arg9 : memref<!tpu.dma_semaphore, #tpu.memory_space<semaphore_mem>>) src(%dma_wait3A_220 : memref<80xi32, #tpu.memory_space<hbm>>) dst(%dma_wait3A_219 : memref<80xi32, #tpu.memory_space<vmem>>)
            %ge3A = arith.constant 2 : i32
            %ge3A_221 = arith.cmpi sge, %scan3A_130, %ge3A : i32
            %convert_element_type3A_222 = arith.extui %ge3A_221 : i1 to i32
            %cond3A_223 = arith.constant 0 : i32
            %cond3A_224 = arith.cmpi ne, %convert_element_type3A_222, %cond3A_223 : i32
            scf.if %cond3A_224 {
              %sub3A = arith.constant 2 : i32
              %sub3A_273 = arith.subi %scan3A_130, %sub3A : i32
              %mul3A_274 = arith.constant 80 : i32
              %mul3A_275 = arith.muli %sub3A_273, %mul3A_274 : i32
              %add3A_276 = arith.addi %mul3A_2, %mul3A_275 : i32
              %dma_wait3A_277 = arith.constant 0 : i32
              %dma_wait3A_278 = arith.constant 0 : i32
              %dma_wait3A_279 = arith.constant 0 : i32
              %dma_wait3A_280 = tpu.memref_slice %arg7[%dma_wait3A_277, %dma_wait3A_278, %dma_wait3A_279] : memref<3x80x300xf32, #tpu.memory_space<vmem>> -> memref<1x80x300xf32, #tpu.memory_space<vmem>>
              %dma_wait3A_281 = tpu.memref_squeeze %dma_wait3A_280 : memref<1x80x300xf32, #tpu.memory_space<vmem>> -> memref<80x300xf32, #tpu.memory_space<vmem>>
              %dma_wait3A_282 = arith.constant 0 : i32
              %dma_wait3A_283 = tpu.memref_slice %arg5[%add3A_276, %dma_wait3A_282] : memref<819200x300xf32, #tpu.memory_space<hbm>> -> memref<80x300xf32, #tpu.memory_space<hbm>>
              %dma_wait3A_284 = arith.constant 0 : i32
              %dma_wait3A_285 = tpu.memref_slice %arg5[%add3A_276, %dma_wait3A_284] : memref<819200x300xf32, #tpu.memory_space<hbm>> -> memref<80x300xf32, #tpu.memory_space<hbm>>
              %dma_wait3A_286 = arith.constant 0 : i32
              %dma_wait3A_287 = arith.constant 0 : i32
              %dma_wait3A_288 = tpu.memref_slice %arg7[%dma_wait3A_277, %dma_wait3A_286, %dma_wait3A_287] : memref<3x80x300xf32, #tpu.memory_space<vmem>> -> memref<1x80x300xf32, #tpu.memory_space<vmem>>
              %dma_wait3A_289 = tpu.memref_squeeze %dma_wait3A_288 : memref<1x80x300xf32, #tpu.memory_space<vmem>> -> memref<80x300xf32, #tpu.memory_space<vmem>>
              tpu.wait_dma2 semaphore(%arg13 : memref<!tpu.dma_semaphore, #tpu.memory_space<semaphore_mem>>) src(%dma_wait3A_289 : memref<80x300xf32, #tpu.memory_space<vmem>>) dst(%dma_wait3A_285 : memref<80x300xf32, #tpu.memory_space<hbm>>)
            } else {
            }
            %dma_start3A_225 = arith.constant 0 : i32
            %dma_start3A_226 = arith.constant 0 : i32
            %dma_start3A_227 = arith.constant 0 : i32
            %dma_start3A_228 = arith.constant 0 : i32
            %dma_start3A_229 = tpu.memref_slice %arg7[%dma_start3A_226, %dma_start3A_227, %dma_start3A_228] : memref<3x80x300xf32, #tpu.memory_space<vmem>> -> memref<1x80x300xf32, #tpu.memory_space<vmem>>
            %dma_start3A_230 = tpu.memref_squeeze %dma_start3A_229 : memref<1x80x300xf32, #tpu.memory_space<vmem>> -> memref<80x300xf32, #tpu.memory_space<vmem>>
            %dma_start3A_231 = arith.constant 0 : i32
            %dma_start3A_232 = arith.constant 0 : i32
            %dma_start3A_233 = tpu.memref_slice %dma_start3A_230[%dma_start3A_231, %dma_start3A_232] : memref<80x300xf32, #tpu.memory_space<vmem>> -> memref<80x128xf32, #tpu.memory_space<vmem>>
            %dma_start3A_234 = arith.constant 0 : i32
            %dma_start3A_235 = tpu.memref_slice %arg6[%dma_start3A_225, %dma_start3A_234] : memref<3x80xi32, #tpu.memory_space<vmem>> -> memref<1x80xi32, #tpu.memory_space<vmem>>
            %dma_start3A_236 = tpu.memref_squeeze %dma_start3A_235 : memref<1x80xi32, #tpu.memory_space<vmem>> -> memref<80xi32, #tpu.memory_space<vmem>>
            %dma_start3A_237 = arith.constant 0 : i32
            %dma_start3A_238 = arith.constant 0 : i32
            %dma_start3A_239 = tpu.memref_slice %arg3[%dma_start3A_237, %dma_start3A_238] : memref<100000x300xf32, #tpu.memory_space<hbm>> -> memref<100000x128xf32, #tpu.memory_space<hbm>>
            %dma_start3A_240 = arith.constant 0 : i32
            %dma_start3A_241 = arith.constant 0 : i32
            %dma_start3A_242 = tpu.memref_slice %dma_start3A_239[%dma_start3A_240, %dma_start3A_241] : memref<100000x128xf32, #tpu.memory_space<hbm>> -> memref<100000x128xf32, #tpu.memory_space<hbm>>
            tpu.enqueue_indirect_dma source(%dma_start3A_242 : memref<100000x128xf32, #tpu.memory_space<hbm>>) target(%dma_start3A_233 : memref<80x128xf32, #tpu.memory_space<vmem>>) offsets(%dma_start3A_236 : memref<80xi32, #tpu.memory_space<vmem>>) semaphore(%arg10 : memref<!tpu.dma_semaphore, #tpu.memory_space<semaphore_mem>>)
            %dma_start3A_243 = arith.constant 0 : i32
            %dma_start3A_244 = arith.constant 0 : i32
            %dma_start3A_245 = arith.constant 0 : i32
            %dma_start3A_246 = arith.constant 0 : i32
            %dma_start3A_247 = tpu.memref_slice %arg7[%dma_start3A_244, %dma_start3A_245, %dma_start3A_246] : memref<3x80x300xf32, #tpu.memory_space<vmem>> -> memref<1x80x300xf32, #tpu.memory_space<vmem>>
            %dma_start3A_248 = tpu.memref_squeeze %dma_start3A_247 : memref<1x80x300xf32, #tpu.memory_space<vmem>> -> memref<80x300xf32, #tpu.memory_space<vmem>>
            %dma_start3A_249 = arith.constant 0 : i32
            %dma_start3A_250 = arith.constant 128 : i32
            %dma_start3A_251 = tpu.memref_slice %dma_start3A_248[%dma_start3A_249, %dma_start3A_250] : memref<80x300xf32, #tpu.memory_space<vmem>> -> memref<80x128xf32, #tpu.memory_space<vmem>>
            %dma_start3A_252 = arith.constant 0 : i32
            %dma_start3A_253 = tpu.memref_slice %arg6[%dma_start3A_243, %dma_start3A_252] : memref<3x80xi32, #tpu.memory_space<vmem>> -> memref<1x80xi32, #tpu.memory_space<vmem>>
            %dma_start3A_254 = tpu.memref_squeeze %dma_start3A_253 : memref<1x80xi32, #tpu.memory_space<vmem>> -> memref<80xi32, #tpu.memory_space<vmem>>
            %dma_start3A_255 = arith.constant 0 : i32
            %dma_start3A_256 = arith.constant 128 : i32
            %dma_start3A_257 = tpu.memref_slice %arg3[%dma_start3A_255, %dma_start3A_256] : memref<100000x300xf32, #tpu.memory_space<hbm>> -> memref<100000x128xf32, #tpu.memory_space<hbm>>
            %dma_start3A_258 = arith.constant 0 : i32
            %dma_start3A_259 = arith.constant 0 : i32
            %dma_start3A_260 = tpu.memref_slice %dma_start3A_257[%dma_start3A_258, %dma_start3A_259] : memref<100000x128xf32, #tpu.memory_space<hbm>> -> memref<100000x128xf32, #tpu.memory_space<hbm>>
            tpu.enqueue_indirect_dma source(%dma_start3A_260 : memref<100000x128xf32, #tpu.memory_space<hbm>>) target(%dma_start3A_251 : memref<80x128xf32, #tpu.memory_space<vmem>>) offsets(%dma_start3A_254 : memref<80xi32, #tpu.memory_space<vmem>>) semaphore(%arg10 : memref<!tpu.dma_semaphore, #tpu.memory_space<semaphore_mem>>)
            %dma_start3A_261 = arith.constant 0 : i32
            %dma_start3A_262 = arith.constant 0 : i32
            %dma_start3A_263 = arith.constant 0 : i32
            %dma_start3A_264 = arith.constant 0 : i32
            %dma_start3A_265 = tpu.memref_slice %arg8[%dma_start3A_262, %dma_start3A_263, %dma_start3A_264] : memref<3x80x128xf32, #tpu.memory_space<vmem>> -> memref<1x80x128xf32, #tpu.memory_space<vmem>>
            %dma_start3A_266 = tpu.memref_squeeze %dma_start3A_265 : memref<1x80x128xf32, #tpu.memory_space<vmem>> -> memref<80x128xf32, #tpu.memory_space<vmem>>
            %dma_start3A_267 = arith.constant 0 : i32
            %dma_start3A_268 = tpu.memref_slice %arg6[%dma_start3A_261, %dma_start3A_267] : memref<3x80xi32, #tpu.memory_space<vmem>> -> memref<1x80xi32, #tpu.memory_space<vmem>>
            %dma_start3A_269 = tpu.memref_squeeze %dma_start3A_268 : memref<1x80xi32, #tpu.memory_space<vmem>> -> memref<80xi32, #tpu.memory_space<vmem>>
            %dma_start3A_270 = arith.constant 0 : i32
            %dma_start3A_271 = arith.constant 0 : i32
            %dma_start3A_272 = tpu.memref_slice %arg4[%dma_start3A_270, %dma_start3A_271] : memref<100000x128xf32, #tpu.memory_space<hbm>> -> memref<100000x128xf32, #tpu.memory_space<hbm>>
            tpu.enqueue_indirect_dma source(%dma_start3A_272 : memref<100000x128xf32, #tpu.memory_space<hbm>>) target(%dma_start3A_266 : memref<80x128xf32, #tpu.memory_space<vmem>>) offsets(%dma_start3A_269 : memref<80xi32, #tpu.memory_space<vmem>>) semaphore(%arg10 : memref<!tpu.dma_semaphore, #tpu.memory_space<semaphore_mem>>)
          } else {
          }
          %lt3A_143 = arith.constant 318 : i32
          %lt3A_144 = arith.cmpi slt, %scan3A_130, %lt3A_143 : i32
          %convert_element_type3A_145 = arith.extui %lt3A_144 : i1 to i32
          %cond3A_146 = arith.constant 0 : i32
          %cond3A_147 = arith.cmpi ne, %convert_element_type3A_145, %cond3A_146 : i32
          scf.if %cond3A_147 {
            %add3A_212 = arith.constant 2 : i32
            %add3A_213 = arith.addi %scan3A_130, %add3A_212 : i32
            %mul3A_214 = arith.constant 80 : i32
            %mul3A_215 = arith.muli %add3A_213, %mul3A_214 : i32
            %add3A_216 = arith.addi %mul3A_2, %mul3A_215 : i32
            %dma_start3A_217 = arith.constant 1 : i32
            %dma_start3A_218 = arith.constant 0 : i32
            %dma_start3A_219 = tpu.memref_slice %arg6[%dma_start3A_217, %dma_start3A_218] : memref<3x80xi32, #tpu.memory_space<vmem>> -> memref<1x80xi32, #tpu.memory_space<vmem>>
            %dma_start3A_220 = tpu.memref_squeeze %dma_start3A_219 : memref<1x80xi32, #tpu.memory_space<vmem>> -> memref<80xi32, #tpu.memory_space<vmem>>
            %dma_start3A_221 = tpu.memref_slice %arg2[%add3A_216] : memref<819200xi32, #tpu.memory_space<hbm>> -> memref<80xi32, #tpu.memory_space<hbm>>
            %dma_start3A_222 = arith.constant 0 : i32
            %dma_start3A_223 = tpu.memref_slice %arg6[%dma_start3A_217, %dma_start3A_222] : memref<3x80xi32, #tpu.memory_space<vmem>> -> memref<1x80xi32, #tpu.memory_space<vmem>>
            %dma_start3A_224 = tpu.memref_squeeze %dma_start3A_223 : memref<1x80xi32, #tpu.memory_space<vmem>> -> memref<80xi32, #tpu.memory_space<vmem>>
            %dma_start3A_225 = tpu.memref_slice %arg2[%add3A_216] : memref<819200xi32, #tpu.memory_space<hbm>> -> memref<80xi32, #tpu.memory_space<hbm>>
            tpu.enqueue_dma source(%dma_start3A_225 : memref<80xi32, #tpu.memory_space<hbm>>) target(%dma_start3A_224 : memref<80xi32, #tpu.memory_space<vmem>>) target_semaphore(%arg9 : memref<!tpu.dma_semaphore, #tpu.memory_space<semaphore_mem>>)
          } else {
          }
          %dma_wait3A_148 = arith.constant 2 : i32
          %dma_wait3A_149 = arith.constant 2 : i32
          %dma_wait3A_150 = arith.constant 0 : i32
          %dma_wait3A_151 = arith.constant 0 : i32
          %dma_wait3A_152 = tpu.memref_slice %arg8[%dma_wait3A_149, %dma_wait3A_150, %dma_wait3A_151] : memref<3x80x128xf32, #tpu.memory_space<vmem>> -> memref<1x80x128xf32, #tpu.memory_space<vmem>>
          %dma_wait3A_153 = tpu.memref_squeeze %dma_wait3A_152 : memref<1x80x128xf32, #tpu.memory_space<vmem>> -> memref<80x128xf32, #tpu.memory_space<vmem>>
          %dma_wait3A_154 = arith.constant 0 : i32
          %dma_wait3A_155 = tpu.memref_slice %arg6[%dma_wait3A_148, %dma_wait3A_154] : memref<3x80xi32, #tpu.memory_space<vmem>> -> memref<1x80xi32, #tpu.memory_space<vmem>>
          %dma_wait3A_156 = tpu.memref_squeeze %dma_wait3A_155 : memref<1x80xi32, #tpu.memory_space<vmem>> -> memref<80xi32, #tpu.memory_space<vmem>>
          %dma_wait3A_157 = arith.constant 0 : i32
          %dma_wait3A_158 = arith.constant 0 : i32
          %dma_wait3A_159 = tpu.memref_slice %arg4[%dma_wait3A_157, %dma_wait3A_158] : memref<100000x128xf32, #tpu.memory_space<hbm>> -> memref<100000x128xf32, #tpu.memory_space<hbm>>
          tpu.wait_indirect_dma semaphore(%arg12 : memref<!tpu.dma_semaphore, #tpu.memory_space<semaphore_mem>>) src(%dma_wait3A_159 : memref<100000x128xf32, #tpu.memory_space<hbm>>) dst(%dma_wait3A_153 : memref<80x128xf32, #tpu.memory_space<vmem>>)
          %dma_wait3A_160 = arith.constant 2 : i32
          %dma_wait3A_161 = arith.constant 2 : i32
          %dma_wait3A_162 = arith.constant 0 : i32
          %dma_wait3A_163 = arith.constant 0 : i32
          %dma_wait3A_164 = tpu.memref_slice %arg8[%dma_wait3A_161, %dma_wait3A_162, %dma_wait3A_163] : memref<3x80x128xf32, #tpu.memory_space<vmem>> -> memref<1x80x128xf32, #tpu.memory_space<vmem>>
          %dma_wait3A_165 = tpu.memref_squeeze %dma_wait3A_164 : memref<1x80x128xf32, #tpu.memory_space<vmem>> -> memref<80x128xf32, #tpu.memory_space<vmem>>
          %dma_wait3A_166 = arith.constant 0 : i32
          %dma_wait3A_167 = tpu.memref_slice %arg6[%dma_wait3A_160, %dma_wait3A_166] : memref<3x80xi32, #tpu.memory_space<vmem>> -> memref<1x80xi32, #tpu.memory_space<vmem>>
          %dma_wait3A_168 = tpu.memref_squeeze %dma_wait3A_167 : memref<1x80xi32, #tpu.memory_space<vmem>> -> memref<80xi32, #tpu.memory_space<vmem>>
          %dma_wait3A_169 = arith.constant 0 : i32
          %dma_wait3A_170 = arith.constant 0 : i32
          %dma_wait3A_171 = tpu.memref_slice %arg4[%dma_wait3A_169, %dma_wait3A_170] : memref<100000x128xf32, #tpu.memory_space<hbm>> -> memref<100000x128xf32, #tpu.memory_space<hbm>>
          tpu.wait_indirect_dma semaphore(%arg12 : memref<!tpu.dma_semaphore, #tpu.memory_space<semaphore_mem>>) src(%dma_wait3A_171 : memref<100000x128xf32, #tpu.memory_space<hbm>>) dst(%dma_wait3A_165 : memref<80x128xf32, #tpu.memory_space<vmem>>)
          %dma_wait3A_172 = arith.constant 2 : i32
          %dma_wait3A_173 = arith.constant 2 : i32
          %dma_wait3A_174 = arith.constant 0 : i32
          %dma_wait3A_175 = arith.constant 0 : i32
          %dma_wait3A_176 = tpu.memref_slice %arg8[%dma_wait3A_173, %dma_wait3A_174, %dma_wait3A_175] : memref<3x80x128xf32, #tpu.memory_space<vmem>> -> memref<1x80x128xf32, #tpu.memory_space<vmem>>
          %dma_wait3A_177 = tpu.memref_squeeze %dma_wait3A_176 : memref<1x80x128xf32, #tpu.memory_space<vmem>> -> memref<80x128xf32, #tpu.memory_space<vmem>>
          %dma_wait3A_178 = arith.constant 0 : i32
          %dma_wait3A_179 = tpu.memref_slice %arg6[%dma_wait3A_172, %dma_wait3A_178] : memref<3x80xi32, #tpu.memory_space<vmem>> -> memref<1x80xi32, #tpu.memory_space<vmem>>
          %dma_wait3A_180 = tpu.memref_squeeze %dma_wait3A_179 : memref<1x80xi32, #tpu.memory_space<vmem>> -> memref<80xi32, #tpu.memory_space<vmem>>
          %dma_wait3A_181 = arith.constant 0 : i32
          %dma_wait3A_182 = arith.constant 0 : i32
          %dma_wait3A_183 = tpu.memref_slice %arg4[%dma_wait3A_181, %dma_wait3A_182] : memref<100000x128xf32, #tpu.memory_space<hbm>> -> memref<100000x128xf32, #tpu.memory_space<hbm>>
          tpu.wait_indirect_dma semaphore(%arg12 : memref<!tpu.dma_semaphore, #tpu.memory_space<semaphore_mem>>) src(%dma_wait3A_183 : memref<100000x128xf32, #tpu.memory_space<hbm>>) dst(%dma_wait3A_177 : memref<80x128xf32, #tpu.memory_space<vmem>>)
          %iota3A = tpu.iota {dimensions = array<i32: 0>} : vector<16xi32>
          %add3A_184 = arith.constant 288 : i32
          %add3A_185 = vector.broadcast %add3A_184 : i32 to vector<16xi32>
          %add3A_186 = arith.addi %iota3A, %add3A_185 : vector<16xi32>
          %lt3A_187 = arith.constant 300 : i32
          %lt3A_188 = vector.broadcast %lt3A_187 : i32 to vector<16xi32>
          %lt3A_189 = arith.cmpi slt, %add3A_186, %lt3A_188 : vector<16xi32>
          %scan3A_190 = arith.constant 0 : i32
          %scan3A_191 = arith.constant 0 : i32
          %scan3A_192 = arith.constant 80 : i32
          %scan3A_193 = arith.addi %scan3A_191, %scan3A_192 : i32
          %scan3A_194 = arith.constant 1 : i32
          scf.for %scan3A_212 = %scan3A_191 to %scan3A_193 step %scan3A_194  : i32 {
            %get3A = arith.constant 2 : i32
            %get3A_213 = arith.index_cast %get3A : i32 to index
            %get3A_214 = arith.index_cast %scan3A_212 : i32 to index
            %get3A_215 = arith.constant 0 : index
            %get3A_216 = tpu.vector_load %arg8[%get3A_213, %get3A_214, %get3A_215] {strides = array<i32>} : memref<3x80x128xf32, #tpu.memory_space<vmem>>, vector<16xf32>,
            %swap3A = arith.constant 2 : i32
            %swap3A_217 = arith.index_cast %swap3A : i32 to index
            %swap3A_218 = arith.index_cast %scan3A_212 : i32 to index
            %swap3A_219 = arith.constant 256 : index
            %swap3A_220 = tpu.vector_load %arg7[%swap3A_217, %swap3A_218, %swap3A_219] {strides = array<i32>} : memref<3x80x300xf32, #tpu.memory_space<vmem>>, vector<16xf32>,
            tpu.vector_store %arg7[%swap3A_217, %swap3A_218, %swap3A_219], %get3A_216 {strides = array<i32>} : memref<3x80x300xf32, #tpu.memory_space<vmem>>, vector<16xf32>,
            %get3A_221 = arith.constant 2 : i32
            %get3A_222 = arith.index_cast %get3A_221 : i32 to index
            %get3A_223 = arith.index_cast %scan3A_212 : i32 to index
            %get3A_224 = arith.constant 16 : index
            %get3A_225 = tpu.vector_load %arg8[%get3A_222, %get3A_223, %get3A_224] {strides = array<i32>} : memref<3x80x128xf32, #tpu.memory_space<vmem>>, vector<16xf32>,
            %swap3A_226 = arith.constant 2 : i32
            %swap3A_227 = arith.index_cast %swap3A_226 : i32 to index
            %swap3A_228 = arith.index_cast %scan3A_212 : i32 to index
            %swap3A_229 = arith.constant 272 : index
            %swap3A_230 = tpu.vector_load %arg7[%swap3A_227, %swap3A_228, %swap3A_229] {strides = array<i32>} : memref<3x80x300xf32, #tpu.memory_space<vmem>>, vector<16xf32>,
            tpu.vector_store %arg7[%swap3A_227, %swap3A_228, %swap3A_229], %get3A_225 {strides = array<i32>} : memref<3x80x300xf32, #tpu.memory_space<vmem>>, vector<16xf32>,
            %get3A_231 = arith.constant 2 : i32
            %get3A_232 = arith.index_cast %get3A_231 : i32 to index
            %get3A_233 = arith.index_cast %scan3A_212 : i32 to index
            %get3A_234 = arith.constant 32 : index
            %get3A_235 = tpu.vector_load %arg8[%get3A_232, %get3A_233, %get3A_234] {strides = array<i32>} : memref<3x80x128xf32, #tpu.memory_space<vmem>>, vector<16xf32>,
            %broadcast_in_dim3A = vector.broadcast %scan3A_212 : i32 to vector<16xi32>
            %scatter3A = arith.constant 2 : i32
            %scatter3A_236 = arith.constant 0 : i32
            %scatter3A_237 = arith.constant 0 : i32
            %scatter3A_238 = tpu.memref_slice %arg7[%scatter3A, %scatter3A_236, %scatter3A_237] : memref<3x80x300xf32, #tpu.memory_space<vmem>> -> memref<1x80x300xf32, #tpu.memory_space<vmem>>
            %scatter3A_239 = tpu.memref_squeeze %scatter3A_238 : memref<1x80x300xf32, #tpu.memory_space<vmem>> -> memref<80x300xf32, #tpu.memory_space<vmem>>
            tpu.vector_store_idx %scatter3A_239[%broadcast_in_dim3A, %add3A_186], %get3A_235 masked %lt3A_189 : memref<80x300xf32, #tpu.memory_space<vmem>>[vector<16xi32>, vector<16xi32>], vector<16xf32>, vector<16xi1>
          }
          %scan3A_195 = arith.constant 80 : i32
          %mul3A_196 = arith.constant 80 : i32
          %mul3A_197 = arith.muli %scan3A_130, %mul3A_196 : i32
          %add3A_198 = arith.addi %mul3A_2, %mul3A_197 : i32
          %dma_start3A_199 = arith.constant 2 : i32
          %dma_start3A_200 = arith.constant 0 : i32
          %dma_start3A_201 = arith.constant 0 : i32
          %dma_start3A_202 = tpu.memref_slice %arg7[%dma_start3A_199, %dma_start3A_200, %dma_start3A_201] : memref<3x80x300xf32, #tpu.memory_space<vmem>> -> memref<1x80x300xf32, #tpu.memory_space<vmem>>
          %dma_start3A_203 = tpu.memref_squeeze %dma_start3A_202 : memref<1x80x300xf32, #tpu.memory_space<vmem>> -> memref<80x300xf32, #tpu.memory_space<vmem>>
          %dma_start3A_204 = arith.constant 0 : i32
          %dma_start3A_205 = tpu.memref_slice %arg5[%add3A_198, %dma_start3A_204] : memref<819200x300xf32, #tpu.memory_space<hbm>> -> memref<80x300xf32, #tpu.memory_space<hbm>>
          %dma_start3A_206 = arith.constant 0 : i32
          %dma_start3A_207 = tpu.memref_slice %arg5[%add3A_198, %dma_start3A_206] : memref<819200x300xf32, #tpu.memory_space<hbm>> -> memref<80x300xf32, #tpu.memory_space<hbm>>
          %dma_start3A_208 = arith.constant 0 : i32
          %dma_start3A_209 = arith.constant 0 : i32
          %dma_start3A_210 = tpu.memref_slice %arg7[%dma_start3A_199, %dma_start3A_208, %dma_start3A_209] : memref<3x80x300xf32, #tpu.memory_space<vmem>> -> memref<1x80x300xf32, #tpu.memory_space<vmem>>
          %dma_start3A_211 = tpu.memref_squeeze %dma_start3A_210 : memref<1x80x300xf32, #tpu.memory_space<vmem>> -> memref<80x300xf32, #tpu.memory_space<vmem>>
          tpu.enqueue_dma source(%dma_start3A_211 : memref<80x300xf32, #tpu.memory_space<vmem>>) target(%dma_start3A_207 : memref<80x300xf32, #tpu.memory_space<hbm>>) target_semaphore(%arg15 : memref<!tpu.dma_semaphore, #tpu.memory_space<semaphore_mem>>)
        } else {
          %lt3A = arith.constant 319 : i32
          %lt3A_140 = arith.cmpi slt, %scan3A_130, %lt3A : i32
          %convert_element_type3A = arith.extui %lt3A_140 : i1 to i32
          %cond3A_141 = arith.constant 0 : i32
          %cond3A_142 = arith.cmpi ne, %convert_element_type3A, %cond3A_141 : i32
          scf.if %cond3A_142 {
            %dma_wait3A_212 = arith.constant 2 : i32
            %dma_wait3A_213 = arith.constant 0 : i32
            %dma_wait3A_214 = tpu.memref_slice %arg6[%dma_wait3A_212, %dma_wait3A_213] : memref<3x80xi32, #tpu.memory_space<vmem>> -> memref<1x80xi32, #tpu.memory_space<vmem>>
            %dma_wait3A_215 = tpu.memref_squeeze %dma_wait3A_214 : memref<1x80xi32, #tpu.memory_space<vmem>> -> memref<80xi32, #tpu.memory_space<vmem>>
            %dma_wait3A_216 = tpu.memref_slice %arg2[%mul3A_2] : memref<819200xi32, #tpu.memory_space<hbm>> -> memref<80xi32, #tpu.memory_space<hbm>>
            %dma_wait3A_217 = arith.constant 0 : i32
            %dma_wait3A_218 = tpu.memref_slice %arg6[%dma_wait3A_212, %dma_wait3A_217] : memref<3x80xi32, #tpu.memory_space<vmem>> -> memref<1x80xi32, #tpu.memory_space<vmem>>
            %dma_wait3A_219 = tpu.memref_squeeze %dma_wait3A_218 : memref<1x80xi32, #tpu.memory_space<vmem>> -> memref<80xi32, #tpu.memory_space<vmem>>
            %dma_wait3A_220 = tpu.memref_slice %arg2[%mul3A_2] : memref<819200xi32, #tpu.memory_space<hbm>> -> memref<80xi32, #tpu.memory_space<hbm>>
            tpu.wait_dma2 semaphore(%arg9 : memref<!tpu.dma_semaphore, #tpu.memory_space<semaphore_mem>>) src(%dma_wait3A_220 : memref<80xi32, #tpu.memory_space<hbm>>) dst(%dma_wait3A_219 : memref<80xi32, #tpu.memory_space<vmem>>)
            %ge3A = arith.constant 2 : i32
            %ge3A_221 = arith.cmpi sge, %scan3A_130, %ge3A : i32
            %convert_element_type3A_222 = arith.extui %ge3A_221 : i1 to i32
            %cond3A_223 = arith.constant 0 : i32
            %cond3A_224 = arith.cmpi ne, %convert_element_type3A_222, %cond3A_223 : i32
            scf.if %cond3A_224 {
              %sub3A = arith.constant 2 : i32
              %sub3A_273 = arith.subi %scan3A_130, %sub3A : i32
              %mul3A_274 = arith.constant 80 : i32
              %mul3A_275 = arith.muli %sub3A_273, %mul3A_274 : i32
              %add3A_276 = arith.addi %mul3A_2, %mul3A_275 : i32
              %dma_wait3A_277 = arith.constant 2 : i32
              %dma_wait3A_278 = arith.constant 0 : i32
              %dma_wait3A_279 = arith.constant 0 : i32
              %dma_wait3A_280 = tpu.memref_slice %arg7[%dma_wait3A_277, %dma_wait3A_278, %dma_wait3A_279] : memref<3x80x300xf32, #tpu.memory_space<vmem>> -> memref<1x80x300xf32, #tpu.memory_space<vmem>>
              %dma_wait3A_281 = tpu.memref_squeeze %dma_wait3A_280 : memref<1x80x300xf32, #tpu.memory_space<vmem>> -> memref<80x300xf32, #tpu.memory_space<vmem>>
              %dma_wait3A_282 = arith.constant 0 : i32
              %dma_wait3A_283 = tpu.memref_slice %arg5[%add3A_276, %dma_wait3A_282] : memref<819200x300xf32, #tpu.memory_space<hbm>> -> memref<80x300xf32, #tpu.memory_space<hbm>>
              %dma_wait3A_284 = arith.constant 0 : i32
              %dma_wait3A_285 = tpu.memref_slice %arg5[%add3A_276, %dma_wait3A_284] : memref<819200x300xf32, #tpu.memory_space<hbm>> -> memref<80x300xf32, #tpu.memory_space<hbm>>
              %dma_wait3A_286 = arith.constant 0 : i32
              %dma_wait3A_287 = arith.constant 0 : i32
              %dma_wait3A_288 = tpu.memref_slice %arg7[%dma_wait3A_277, %dma_wait3A_286, %dma_wait3A_287] : memref<3x80x300xf32, #tpu.memory_space<vmem>> -> memref<1x80x300xf32, #tpu.memory_space<vmem>>
              %dma_wait3A_289 = tpu.memref_squeeze %dma_wait3A_288 : memref<1x80x300xf32, #tpu.memory_space<vmem>> -> memref<80x300xf32, #tpu.memory_space<vmem>>
              tpu.wait_dma2 semaphore(%arg15 : memref<!tpu.dma_semaphore, #tpu.memory_space<semaphore_mem>>) src(%dma_wait3A_289 : memref<80x300xf32, #tpu.memory_space<vmem>>) dst(%dma_wait3A_285 : memref<80x300xf32, #tpu.memory_space<hbm>>)
            } else {
            }
            %dma_start3A_225 = arith.constant 2 : i32
            %dma_start3A_226 = arith.constant 2 : i32
            %dma_start3A_227 = arith.constant 0 : i32
            %dma_start3A_228 = arith.constant 0 : i32
            %dma_start3A_229 = tpu.memref_slice %arg7[%dma_start3A_226, %dma_start3A_227, %dma_start3A_228] : memref<3x80x300xf32, #tpu.memory_space<vmem>> -> memref<1x80x300xf32, #tpu.memory_space<vmem>>
            %dma_start3A_230 = tpu.memref_squeeze %dma_start3A_229 : memref<1x80x300xf32, #tpu.memory_space<vmem>> -> memref<80x300xf32, #tpu.memory_space<vmem>>
            %dma_start3A_231 = arith.constant 0 : i32
            %dma_start3A_232 = arith.constant 0 : i32
            %dma_start3A_233 = tpu.memref_slice %dma_start3A_230[%dma_start3A_231, %dma_start3A_232] : memref<80x300xf32, #tpu.memory_space<vmem>> -> memref<80x128xf32, #tpu.memory_space<vmem>>
            %dma_start3A_234 = arith.constant 0 : i32
            %dma_start3A_235 = tpu.memref_slice %arg6[%dma_start3A_225, %dma_start3A_234] : memref<3x80xi32, #tpu.memory_space<vmem>> -> memref<1x80xi32, #tpu.memory_space<vmem>>
            %dma_start3A_236 = tpu.memref_squeeze %dma_start3A_235 : memref<1x80xi32, #tpu.memory_space<vmem>> -> memref<80xi32, #tpu.memory_space<vmem>>
            %dma_start3A_237 = arith.constant 0 : i32
            %dma_start3A_238 = arith.constant 0 : i32
            %dma_start3A_239 = tpu.memref_slice %arg3[%dma_start3A_237, %dma_start3A_238] : memref<100000x300xf32, #tpu.memory_space<hbm>> -> memref<100000x128xf32, #tpu.memory_space<hbm>>
            %dma_start3A_240 = arith.constant 0 : i32
            %dma_start3A_241 = arith.constant 0 : i32
            %dma_start3A_242 = tpu.memref_slice %dma_start3A_239[%dma_start3A_240, %dma_start3A_241] : memref<100000x128xf32, #tpu.memory_space<hbm>> -> memref<100000x128xf32, #tpu.memory_space<hbm>>
            tpu.enqueue_indirect_dma source(%dma_start3A_242 : memref<100000x128xf32, #tpu.memory_space<hbm>>) target(%dma_start3A_233 : memref<80x128xf32, #tpu.memory_space<vmem>>) offsets(%dma_start3A_236 : memref<80xi32, #tpu.memory_space<vmem>>) semaphore(%arg12 : memref<!tpu.dma_semaphore, #tpu.memory_space<semaphore_mem>>)
            %dma_start3A_243 = arith.constant 2 : i32
            %dma_start3A_244 = arith.constant 2 : i32
            %dma_start3A_245 = arith.constant 0 : i32
            %dma_start3A_246 = arith.constant 0 : i32
            %dma_start3A_247 = tpu.memref_slice %arg7[%dma_start3A_244, %dma_start3A_245, %dma_start3A_246] : memref<3x80x300xf32, #tpu.memory_space<vmem>> -> memref<1x80x300xf32, #tpu.memory_space<vmem>>
            %dma_start3A_248 = tpu.memref_squeeze %dma_start3A_247 : memref<1x80x300xf32, #tpu.memory_space<vmem>> -> memref<80x300xf32, #tpu.memory_space<vmem>>
            %dma_start3A_249 = arith.constant 0 : i32
            %dma_start3A_250 = arith.constant 128 : i32
            %dma_start3A_251 = tpu.memref_slice %dma_start3A_248[%dma_start3A_249, %dma_start3A_250] : memref<80x300xf32, #tpu.memory_space<vmem>> -> memref<80x128xf32, #tpu.memory_space<vmem>>
            %dma_start3A_252 = arith.constant 0 : i32
            %dma_start3A_253 = tpu.memref_slice %arg6[%dma_start3A_243, %dma_start3A_252] : memref<3x80xi32, #tpu.memory_space<vmem>> -> memref<1x80xi32, #tpu.memory_space<vmem>>
            %dma_start3A_254 = tpu.memref_squeeze %dma_start3A_253 : memref<1x80xi32, #tpu.memory_space<vmem>> -> memref<80xi32, #tpu.memory_space<vmem>>
            %dma_start3A_255 = arith.constant 0 : i32
            %dma_start3A_256 = arith.constant 128 : i32
            %dma_start3A_257 = tpu.memref_slice %arg3[%dma_start3A_255, %dma_start3A_256] : memref<100000x300xf32, #tpu.memory_space<hbm>> -> memref<100000x128xf32, #tpu.memory_space<hbm>>
            %dma_start3A_258 = arith.constant 0 : i32
            %dma_start3A_259 = arith.constant 0 : i32
            %dma_start3A_260 = tpu.memref_slice %dma_start3A_257[%dma_start3A_258, %dma_start3A_259] : memref<100000x128xf32, #tpu.memory_space<hbm>> -> memref<100000x128xf32, #tpu.memory_space<hbm>>
            tpu.enqueue_indirect_dma source(%dma_start3A_260 : memref<100000x128xf32, #tpu.memory_space<hbm>>) target(%dma_start3A_251 : memref<80x128xf32, #tpu.memory_space<vmem>>) offsets(%dma_start3A_254 : memref<80xi32, #tpu.memory_space<vmem>>) semaphore(%arg12 : memref<!tpu.dma_semaphore, #tpu.memory_space<semaphore_mem>>)
            %dma_start3A_261 = arith.constant 2 : i32
            %dma_start3A_262 = arith.constant 2 : i32
            %dma_start3A_263 = arith.constant 0 : i32
            %dma_start3A_264 = arith.constant 0 : i32
            %dma_start3A_265 = tpu.memref_slice %arg8[%dma_start3A_262, %dma_start3A_263, %dma_start3A_264] : memref<3x80x128xf32, #tpu.memory_space<vmem>> -> memref<1x80x128xf32, #tpu.memory_space<vmem>>
            %dma_start3A_266 = tpu.memref_squeeze %dma_start3A_265 : memref<1x80x128xf32, #tpu.memory_space<vmem>> -> memref<80x128xf32, #tpu.memory_space<vmem>>
            %dma_start3A_267 = arith.constant 0 : i32
            %dma_start3A_268 = tpu.memref_slice %arg6[%dma_start3A_261, %dma_start3A_267] : memref<3x80xi32, #tpu.memory_space<vmem>> -> memref<1x80xi32, #tpu.memory_space<vmem>>
            %dma_start3A_269 = tpu.memref_squeeze %dma_start3A_268 : memref<1x80xi32, #tpu.memory_space<vmem>> -> memref<80xi32, #tpu.memory_space<vmem>>
            %dma_start3A_270 = arith.constant 0 : i32
            %dma_start3A_271 = arith.constant 0 : i32
            %dma_start3A_272 = tpu.memref_slice %arg4[%dma_start3A_270, %dma_start3A_271] : memref<100000x128xf32, #tpu.memory_space<hbm>> -> memref<100000x128xf32, #tpu.memory_space<hbm>>
            tpu.enqueue_indirect_dma source(%dma_start3A_272 : memref<100000x128xf32, #tpu.memory_space<hbm>>) target(%dma_start3A_266 : memref<80x128xf32, #tpu.memory_space<vmem>>) offsets(%dma_start3A_269 : memref<80xi32, #tpu.memory_space<vmem>>) semaphore(%arg12 : memref<!tpu.dma_semaphore, #tpu.memory_space<semaphore_mem>>)
          } else {
          }
          %lt3A_143 = arith.constant 318 : i32
          %lt3A_144 = arith.cmpi slt, %scan3A_130, %lt3A_143 : i32
          %convert_element_type3A_145 = arith.extui %lt3A_144 : i1 to i32
          %cond3A_146 = arith.constant 0 : i32
          %cond3A_147 = arith.cmpi ne, %convert_element_type3A_145, %cond3A_146 : i32
          scf.if %cond3A_147 {
            %add3A_212 = arith.constant 2 : i32
            %add3A_213 = arith.addi %scan3A_130, %add3A_212 : i32
            %mul3A_214 = arith.constant 80 : i32
            %mul3A_215 = arith.muli %add3A_213, %mul3A_214 : i32
            %add3A_216 = arith.addi %mul3A_2, %mul3A_215 : i32
            %dma_start3A_217 = arith.constant 0 : i32
            %dma_start3A_218 = arith.constant 0 : i32
            %dma_start3A_219 = tpu.memref_slice %arg6[%dma_start3A_217, %dma_start3A_218] : memref<3x80xi32, #tpu.memory_space<vmem>> -> memref<1x80xi32, #tpu.memory_space<vmem>>
            %dma_start3A_220 = tpu.memref_squeeze %dma_start3A_219 : memref<1x80xi32, #tpu.memory_space<vmem>> -> memref<80xi32, #tpu.memory_space<vmem>>
            %dma_start3A_221 = tpu.memref_slice %arg2[%add3A_216] : memref<819200xi32, #tpu.memory_space<hbm>> -> memref<80xi32, #tpu.memory_space<hbm>>
            %dma_start3A_222 = arith.constant 0 : i32
            %dma_start3A_223 = tpu.memref_slice %arg6[%dma_start3A_217, %dma_start3A_222] : memref<3x80xi32, #tpu.memory_space<vmem>> -> memref<1x80xi32, #tpu.memory_space<vmem>>
            %dma_start3A_224 = tpu.memref_squeeze %dma_start3A_223 : memref<1x80xi32, #tpu.memory_space<vmem>> -> memref<80xi32, #tpu.memory_space<vmem>>
            %dma_start3A_225 = tpu.memref_slice %arg2[%add3A_216] : memref<819200xi32, #tpu.memory_space<hbm>> -> memref<80xi32, #tpu.memory_space<hbm>>
            tpu.enqueue_dma source(%dma_start3A_225 : memref<80xi32, #tpu.memory_space<hbm>>) target(%dma_start3A_224 : memref<80xi32, #tpu.memory_space<vmem>>) target_semaphore(%arg9 : memref<!tpu.dma_semaphore, #tpu.memory_space<semaphore_mem>>)
          } else {
          }
          %dma_wait3A_148 = arith.constant 1 : i32
          %dma_wait3A_149 = arith.constant 1 : i32
          %dma_wait3A_150 = arith.constant 0 : i32
          %dma_wait3A_151 = arith.constant 0 : i32
          %dma_wait3A_152 = tpu.memref_slice %arg8[%dma_wait3A_149, %dma_wait3A_150, %dma_wait3A_151] : memref<3x80x128xf32, #tpu.memory_space<vmem>> -> memref<1x80x128xf32, #tpu.memory_space<vmem>>
          %dma_wait3A_153 = tpu.memref_squeeze %dma_wait3A_152 : memref<1x80x128xf32, #tpu.memory_space<vmem>> -> memref<80x128xf32, #tpu.memory_space<vmem>>
          %dma_wait3A_154 = arith.constant 0 : i32
          %dma_wait3A_155 = tpu.memref_slice %arg6[%dma_wait3A_148, %dma_wait3A_154] : memref<3x80xi32, #tpu.memory_space<vmem>> -> memref<1x80xi32, #tpu.memory_space<vmem>>
          %dma_wait3A_156 = tpu.memref_squeeze %dma_wait3A_155 : memref<1x80xi32, #tpu.memory_space<vmem>> -> memref<80xi32, #tpu.memory_space<vmem>>
          %dma_wait3A_157 = arith.constant 0 : i32
          %dma_wait3A_158 = arith.constant 0 : i32
          %dma_wait3A_159 = tpu.memref_slice %arg4[%dma_wait3A_157, %dma_wait3A_158] : memref<100000x128xf32, #tpu.memory_space<hbm>> -> memref<100000x128xf32, #tpu.memory_space<hbm>>
          tpu.wait_indirect_dma semaphore(%arg11 : memref<!tpu.dma_semaphore, #tpu.memory_space<semaphore_mem>>) src(%dma_wait3A_159 : memref<100000x128xf32, #tpu.memory_space<hbm>>) dst(%dma_wait3A_153 : memref<80x128xf32, #tpu.memory_space<vmem>>)
          %dma_wait3A_160 = arith.constant 1 : i32
          %dma_wait3A_161 = arith.constant 1 : i32
          %dma_wait3A_162 = arith.constant 0 : i32
          %dma_wait3A_163 = arith.constant 0 : i32
          %dma_wait3A_164 = tpu.memref_slice %arg8[%dma_wait3A_161, %dma_wait3A_162, %dma_wait3A_163] : memref<3x80x128xf32, #tpu.memory_space<vmem>> -> memref<1x80x128xf32, #tpu.memory_space<vmem>>
          %dma_wait3A_165 = tpu.memref_squeeze %dma_wait3A_164 : memref<1x80x128xf32, #tpu.memory_space<vmem>> -> memref<80x128xf32, #tpu.memory_space<vmem>>
          %dma_wait3A_166 = arith.constant 0 : i32
          %dma_wait3A_167 = tpu.memref_slice %arg6[%dma_wait3A_160, %dma_wait3A_166] : memref<3x80xi32, #tpu.memory_space<vmem>> -> memref<1x80xi32, #tpu.memory_space<vmem>>
          %dma_wait3A_168 = tpu.memref_squeeze %dma_wait3A_167 : memref<1x80xi32, #tpu.memory_space<vmem>> -> memref<80xi32, #tpu.memory_space<vmem>>
          %dma_wait3A_169 = arith.constant 0 : i32
          %dma_wait3A_170 = arith.constant 0 : i32
          %dma_wait3A_171 = tpu.memref_slice %arg4[%dma_wait3A_169, %dma_wait3A_170] : memref<100000x128xf32, #tpu.memory_space<hbm>> -> memref<100000x128xf32, #tpu.memory_space<hbm>>
          tpu.wait_indirect_dma semaphore(%arg11 : memref<!tpu.dma_semaphore, #tpu.memory_space<semaphore_mem>>) src(%dma_wait3A_171 : memref<100000x128xf32, #tpu.memory_space<hbm>>) dst(%dma_wait3A_165 : memref<80x128xf32, #tpu.memory_space<vmem>>)
          %dma_wait3A_172 = arith.constant 1 : i32
          %dma_wait3A_173 = arith.constant 1 : i32
          %dma_wait3A_174 = arith.constant 0 : i32
          %dma_wait3A_175 = arith.constant 0 : i32
          %dma_wait3A_176 = tpu.memref_slice %arg8[%dma_wait3A_173, %dma_wait3A_174, %dma_wait3A_175] : memref<3x80x128xf32, #tpu.memory_space<vmem>> -> memref<1x80x128xf32, #tpu.memory_space<vmem>>
          %dma_wait3A_177 = tpu.memref_squeeze %dma_wait3A_176 : memref<1x80x128xf32, #tpu.memory_space<vmem>> -> memref<80x128xf32, #tpu.memory_space<vmem>>
          %dma_wait3A_178 = arith.constant 0 : i32
          %dma_wait3A_179 = tpu.memref_slice %arg6[%dma_wait3A_172, %dma_wait3A_178] : memref<3x80xi32, #tpu.memory_space<vmem>> -> memref<1x80xi32, #tpu.memory_space<vmem>>
          %dma_wait3A_180 = tpu.memref_squeeze %dma_wait3A_179 : memref<1x80xi32, #tpu.memory_space<vmem>> -> memref<80xi32, #tpu.memory_space<vmem>>
          %dma_wait3A_181 = arith.constant 0 : i32
          %dma_wait3A_182 = arith.constant 0 : i32
          %dma_wait3A_183 = tpu.memref_slice %arg4[%dma_wait3A_181, %dma_wait3A_182] : memref<100000x128xf32, #tpu.memory_space<hbm>> -> memref<100000x128xf32, #tpu.memory_space<hbm>>
          tpu.wait_indirect_dma semaphore(%arg11 : memref<!tpu.dma_semaphore, #tpu.memory_space<semaphore_mem>>) src(%dma_wait3A_183 : memref<100000x128xf32, #tpu.memory_space<hbm>>) dst(%dma_wait3A_177 : memref<80x128xf32, #tpu.memory_space<vmem>>)
          %iota3A = tpu.iota {dimensions = array<i32: 0>} : vector<16xi32>
          %add3A_184 = arith.constant 288 : i32
          %add3A_185 = vector.broadcast %add3A_184 : i32 to vector<16xi32>
          %add3A_186 = arith.addi %iota3A, %add3A_185 : vector<16xi32>
          %lt3A_187 = arith.constant 300 : i32
          %lt3A_188 = vector.broadcast %lt3A_187 : i32 to vector<16xi32>
          %lt3A_189 = arith.cmpi slt, %add3A_186, %lt3A_188 : vector<16xi32>
          %scan3A_190 = arith.constant 0 : i32
          %scan3A_191 = arith.constant 0 : i32
          %scan3A_192 = arith.constant 80 : i32
          %scan3A_193 = arith.addi %scan3A_191, %scan3A_192 : i32
          %scan3A_194 = arith.constant 1 : i32
          scf.for %scan3A_212 = %scan3A_191 to %scan3A_193 step %scan3A_194  : i32 {
            %get3A = arith.constant 1 : i32
            %get3A_213 = arith.index_cast %get3A : i32 to index
            %get3A_214 = arith.index_cast %scan3A_212 : i32 to index
            %get3A_215 = arith.constant 0 : index
            %get3A_216 = tpu.vector_load %arg8[%get3A_213, %get3A_214, %get3A_215] {strides = array<i32>} : memref<3x80x128xf32, #tpu.memory_space<vmem>>, vector<16xf32>,
            %swap3A = arith.constant 1 : i32
            %swap3A_217 = arith.index_cast %swap3A : i32 to index
            %swap3A_218 = arith.index_cast %scan3A_212 : i32 to index
            %swap3A_219 = arith.constant 256 : index
            %swap3A_220 = tpu.vector_load %arg7[%swap3A_217, %swap3A_218, %swap3A_219] {strides = array<i32>} : memref<3x80x300xf32, #tpu.memory_space<vmem>>, vector<16xf32>,
            tpu.vector_store %arg7[%swap3A_217, %swap3A_218, %swap3A_219], %get3A_216 {strides = array<i32>} : memref<3x80x300xf32, #tpu.memory_space<vmem>>, vector<16xf32>,
            %get3A_221 = arith.constant 1 : i32
            %get3A_222 = arith.index_cast %get3A_221 : i32 to index
            %get3A_223 = arith.index_cast %scan3A_212 : i32 to index
            %get3A_224 = arith.constant 16 : index
            %get3A_225 = tpu.vector_load %arg8[%get3A_222, %get3A_223, %get3A_224] {strides = array<i32>} : memref<3x80x128xf32, #tpu.memory_space<vmem>>, vector<16xf32>,
            %swap3A_226 = arith.constant 1 : i32
            %swap3A_227 = arith.index_cast %swap3A_226 : i32 to index
            %swap3A_228 = arith.index_cast %scan3A_212 : i32 to index
            %swap3A_229 = arith.constant 272 : index
            %swap3A_230 = tpu.vector_load %arg7[%swap3A_227, %swap3A_228, %swap3A_229] {strides = array<i32>} : memref<3x80x300xf32, #tpu.memory_space<vmem>>, vector<16xf32>,
            tpu.vector_store %arg7[%swap3A_227, %swap3A_228, %swap3A_229], %get3A_225 {strides = array<i32>} : memref<3x80x300xf32, #tpu.memory_space<vmem>>, vector<16xf32>,
            %get3A_231 = arith.constant 1 : i32
            %get3A_232 = arith.index_cast %get3A_231 : i32 to index
            %get3A_233 = arith.index_cast %scan3A_212 : i32 to index
            %get3A_234 = arith.constant 32 : index
            %get3A_235 = tpu.vector_load %arg8[%get3A_232, %get3A_233, %get3A_234] {strides = array<i32>} : memref<3x80x128xf32, #tpu.memory_space<vmem>>, vector<16xf32>,
            %broadcast_in_dim3A = vector.broadcast %scan3A_212 : i32 to vector<16xi32>
            %scatter3A = arith.constant 1 : i32
            %scatter3A_236 = arith.constant 0 : i32
            %scatter3A_237 = arith.constant 0 : i32
            %scatter3A_238 = tpu.memref_slice %arg7[%scatter3A, %scatter3A_236, %scatter3A_237] : memref<3x80x300xf32, #tpu.memory_space<vmem>> -> memref<1x80x300xf32, #tpu.memory_space<vmem>>
            %scatter3A_239 = tpu.memref_squeeze %scatter3A_238 : memref<1x80x300xf32, #tpu.memory_space<vmem>> -> memref<80x300xf32, #tpu.memory_space<vmem>>
            tpu.vector_store_idx %scatter3A_239[%broadcast_in_dim3A, %add3A_186], %get3A_235 masked %lt3A_189 : memref<80x300xf32, #tpu.memory_space<vmem>>[vector<16xi32>, vector<16xi32>], vector<16xf32>, vector<16xi1>
          }
          %scan3A_195 = arith.constant 80 : i32
          %mul3A_196 = arith.constant 80 : i32
          %mul3A_197 = arith.muli %scan3A_130, %mul3A_196 : i32
          %add3A_198 = arith.addi %mul3A_2, %mul3A_197 : i32
          %dma_start3A_199 = arith.constant 1 : i32
          %dma_start3A_200 = arith.constant 0 : i32
          %dma_start3A_201 = arith.constant 0 : i32
          %dma_start3A_202 = tpu.memref_slice %arg7[%dma_start3A_199, %dma_start3A_200, %dma_start3A_201] : memref<3x80x300xf32, #tpu.memory_space<vmem>> -> memref<1x80x300xf32, #tpu.memory_space<vmem>>
          %dma_start3A_203 = tpu.memref_squeeze %dma_start3A_202 : memref<1x80x300xf32, #tpu.memory_space<vmem>> -> memref<80x300xf32, #tpu.memory_space<vmem>>
          %dma_start3A_204 = arith.constant 0 : i32
          %dma_start3A_205 = tpu.memref_slice %arg5[%add3A_198, %dma_start3A_204] : memref<819200x300xf32, #tpu.memory_space<hbm>> -> memref<80x300xf32, #tpu.memory_space<hbm>>
          %dma_start3A_206 = arith.constant 0 : i32
          %dma_start3A_207 = tpu.memref_slice %arg5[%add3A_198, %dma_start3A_206] : memref<819200x300xf32, #tpu.memory_space<hbm>> -> memref<80x300xf32, #tpu.memory_space<hbm>>
          %dma_start3A_208 = arith.constant 0 : i32
          %dma_start3A_209 = arith.constant 0 : i32
          %dma_start3A_210 = tpu.memref_slice %arg7[%dma_start3A_199, %dma_start3A_208, %dma_start3A_209] : memref<3x80x300xf32, #tpu.memory_space<vmem>> -> memref<1x80x300xf32, #tpu.memory_space<vmem>>
          %dma_start3A_211 = tpu.memref_squeeze %dma_start3A_210 : memref<1x80x300xf32, #tpu.memory_space<vmem>> -> memref<80x300xf32, #tpu.memory_space<vmem>>
          tpu.enqueue_dma source(%dma_start3A_211 : memref<80x300xf32, #tpu.memory_space<vmem>>) target(%dma_start3A_207 : memref<80x300xf32, #tpu.memory_space<hbm>>) target_semaphore(%arg14 : memref<!tpu.dma_semaphore, #tpu.memory_space<semaphore_mem>>)
        }
      } else {
        %lt3A = arith.constant 319 : i32
        %lt3A_136 = arith.cmpi slt, %scan3A_130, %lt3A : i32
        %convert_element_type3A = arith.extui %lt3A_136 : i1 to i32
        %cond3A_137 = arith.constant 0 : i32
        %cond3A_138 = arith.cmpi ne, %convert_element_type3A, %cond3A_137 : i32
        scf.if %cond3A_138 {
          %dma_wait3A_208 = arith.constant 1 : i32
          %dma_wait3A_209 = arith.constant 0 : i32
          %dma_wait3A_210 = tpu.memref_slice %arg6[%dma_wait3A_208, %dma_wait3A_209] : memref<3x80xi32, #tpu.memory_space<vmem>> -> memref<1x80xi32, #tpu.memory_space<vmem>>
          %dma_wait3A_211 = tpu.memref_squeeze %dma_wait3A_210 : memref<1x80xi32, #tpu.memory_space<vmem>> -> memref<80xi32, #tpu.memory_space<vmem>>
          %dma_wait3A_212 = tpu.memref_slice %arg2[%mul3A_2] : memref<819200xi32, #tpu.memory_space<hbm>> -> memref<80xi32, #tpu.memory_space<hbm>>
          %dma_wait3A_213 = arith.constant 0 : i32
          %dma_wait3A_214 = tpu.memref_slice %arg6[%dma_wait3A_208, %dma_wait3A_213] : memref<3x80xi32, #tpu.memory_space<vmem>> -> memref<1x80xi32, #tpu.memory_space<vmem>>
          %dma_wait3A_215 = tpu.memref_squeeze %dma_wait3A_214 : memref<1x80xi32, #tpu.memory_space<vmem>> -> memref<80xi32, #tpu.memory_space<vmem>>
          %dma_wait3A_216 = tpu.memref_slice %arg2[%mul3A_2] : memref<819200xi32, #tpu.memory_space<hbm>> -> memref<80xi32, #tpu.memory_space<hbm>>
          tpu.wait_dma2 semaphore(%arg9 : memref<!tpu.dma_semaphore, #tpu.memory_space<semaphore_mem>>) src(%dma_wait3A_216 : memref<80xi32, #tpu.memory_space<hbm>>) dst(%dma_wait3A_215 : memref<80xi32, #tpu.memory_space<vmem>>)
          %ge3A = arith.constant 2 : i32
          %ge3A_217 = arith.cmpi sge, %scan3A_130, %ge3A : i32
          %convert_element_type3A_218 = arith.extui %ge3A_217 : i1 to i32
          %cond3A_219 = arith.constant 0 : i32
          %cond3A_220 = arith.cmpi ne, %convert_element_type3A_218, %cond3A_219 : i32
          scf.if %cond3A_220 {
            %sub3A = arith.constant 2 : i32
            %sub3A_269 = arith.subi %scan3A_130, %sub3A : i32
            %mul3A_270 = arith.constant 80 : i32
            %mul3A_271 = arith.muli %sub3A_269, %mul3A_270 : i32
            %add3A_272 = arith.addi %mul3A_2, %mul3A_271 : i32
            %dma_wait3A_273 = arith.constant 1 : i32
            %dma_wait3A_274 = arith.constant 0 : i32
            %dma_wait3A_275 = arith.constant 0 : i32
            %dma_wait3A_276 = tpu.memref_slice %arg7[%dma_wait3A_273, %dma_wait3A_274, %dma_wait3A_275] : memref<3x80x300xf32, #tpu.memory_space<vmem>> -> memref<1x80x300xf32, #tpu.memory_space<vmem>>
            %dma_wait3A_277 = tpu.memref_squeeze %dma_wait3A_276 : memref<1x80x300xf32, #tpu.memory_space<vmem>> -> memref<80x300xf32, #tpu.memory_space<vmem>>
            %dma_wait3A_278 = arith.constant 0 : i32
            %dma_wait3A_279 = tpu.memref_slice %arg5[%add3A_272, %dma_wait3A_278] : memref<819200x300xf32, #tpu.memory_space<hbm>> -> memref<80x300xf32, #tpu.memory_space<hbm>>
            %dma_wait3A_280 = arith.constant 0 : i32
            %dma_wait3A_281 = tpu.memref_slice %arg5[%add3A_272, %dma_wait3A_280] : memref<819200x300xf32, #tpu.memory_space<hbm>> -> memref<80x300xf32, #tpu.memory_space<hbm>>
            %dma_wait3A_282 = arith.constant 0 : i32
            %dma_wait3A_283 = arith.constant 0 : i32
            %dma_wait3A_284 = tpu.memref_slice %arg7[%dma_wait3A_273, %dma_wait3A_282, %dma_wait3A_283] : memref<3x80x300xf32, #tpu.memory_space<vmem>> -> memref<1x80x300xf32, #tpu.memory_space<vmem>>
            %dma_wait3A_285 = tpu.memref_squeeze %dma_wait3A_284 : memref<1x80x300xf32, #tpu.memory_space<vmem>> -> memref<80x300xf32, #tpu.memory_space<vmem>>
            tpu.wait_dma2 semaphore(%arg14 : memref<!tpu.dma_semaphore, #tpu.memory_space<semaphore_mem>>) src(%dma_wait3A_285 : memref<80x300xf32, #tpu.memory_space<vmem>>) dst(%dma_wait3A_281 : memref<80x300xf32, #tpu.memory_space<hbm>>)
          } else {
          }
          %dma_start3A_221 = arith.constant 1 : i32
          %dma_start3A_222 = arith.constant 1 : i32
          %dma_start3A_223 = arith.constant 0 : i32
          %dma_start3A_224 = arith.constant 0 : i32
          %dma_start3A_225 = tpu.memref_slice %arg7[%dma_start3A_222, %dma_start3A_223, %dma_start3A_224] : memref<3x80x300xf32, #tpu.memory_space<vmem>> -> memref<1x80x300xf32, #tpu.memory_space<vmem>>
          %dma_start3A_226 = tpu.memref_squeeze %dma_start3A_225 : memref<1x80x300xf32, #tpu.memory_space<vmem>> -> memref<80x300xf32, #tpu.memory_space<vmem>>
          %dma_start3A_227 = arith.constant 0 : i32
          %dma_start3A_228 = arith.constant 0 : i32
          %dma_start3A_229 = tpu.memref_slice %dma_start3A_226[%dma_start3A_227, %dma_start3A_228] : memref<80x300xf32, #tpu.memory_space<vmem>> -> memref<80x128xf32, #tpu.memory_space<vmem>>
          %dma_start3A_230 = arith.constant 0 : i32
          %dma_start3A_231 = tpu.memref_slice %arg6[%dma_start3A_221, %dma_start3A_230] : memref<3x80xi32, #tpu.memory_space<vmem>> -> memref<1x80xi32, #tpu.memory_space<vmem>>
          %dma_start3A_232 = tpu.memref_squeeze %dma_start3A_231 : memref<1x80xi32, #tpu.memory_space<vmem>> -> memref<80xi32, #tpu.memory_space<vmem>>
          %dma_start3A_233 = arith.constant 0 : i32
          %dma_start3A_234 = arith.constant 0 : i32
          %dma_start3A_235 = tpu.memref_slice %arg3[%dma_start3A_233, %dma_start3A_234] : memref<100000x300xf32, #tpu.memory_space<hbm>> -> memref<100000x128xf32, #tpu.memory_space<hbm>>
          %dma_start3A_236 = arith.constant 0 : i32
          %dma_start3A_237 = arith.constant 0 : i32
          %dma_start3A_238 = tpu.memref_slice %dma_start3A_235[%dma_start3A_236, %dma_start3A_237] : memref<100000x128xf32, #tpu.memory_space<hbm>> -> memref<100000x128xf32, #tpu.memory_space<hbm>>
          tpu.enqueue_indirect_dma source(%dma_start3A_238 : memref<100000x128xf32, #tpu.memory_space<hbm>>) target(%dma_start3A_229 : memref<80x128xf32, #tpu.memory_space<vmem>>) offsets(%dma_start3A_232 : memref<80xi32, #tpu.memory_space<vmem>>) semaphore(%arg11 : memref<!tpu.dma_semaphore, #tpu.memory_space<semaphore_mem>>)
          %dma_start3A_239 = arith.constant 1 : i32
          %dma_start3A_240 = arith.constant 1 : i32
          %dma_start3A_241 = arith.constant 0 : i32
          %dma_start3A_242 = arith.constant 0 : i32
          %dma_start3A_243 = tpu.memref_slice %arg7[%dma_start3A_240, %dma_start3A_241, %dma_start3A_242] : memref<3x80x300xf32, #tpu.memory_space<vmem>> -> memref<1x80x300xf32, #tpu.memory_space<vmem>>
          %dma_start3A_244 = tpu.memref_squeeze %dma_start3A_243 : memref<1x80x300xf32, #tpu.memory_space<vmem>> -> memref<80x300xf32, #tpu.memory_space<vmem>>
          %dma_start3A_245 = arith.constant 0 : i32
          %dma_start3A_246 = arith.constant 128 : i32
          %dma_start3A_247 = tpu.memref_slice %dma_start3A_244[%dma_start3A_245, %dma_start3A_246] : memref<80x300xf32, #tpu.memory_space<vmem>> -> memref<80x128xf32, #tpu.memory_space<vmem>>
          %dma_start3A_248 = arith.constant 0 : i32
          %dma_start3A_249 = tpu.memref_slice %arg6[%dma_start3A_239, %dma_start3A_248] : memref<3x80xi32, #tpu.memory_space<vmem>> -> memref<1x80xi32, #tpu.memory_space<vmem>>
          %dma_start3A_250 = tpu.memref_squeeze %dma_start3A_249 : memref<1x80xi32, #tpu.memory_space<vmem>> -> memref<80xi32, #tpu.memory_space<vmem>>
          %dma_start3A_251 = arith.constant 0 : i32
          %dma_start3A_252 = arith.constant 128 : i32
          %dma_start3A_253 = tpu.memref_slice %arg3[%dma_start3A_251, %dma_start3A_252] : memref<100000x300xf32, #tpu.memory_space<hbm>> -> memref<100000x128xf32, #tpu.memory_space<hbm>>
          %dma_start3A_254 = arith.constant 0 : i32
          %dma_start3A_255 = arith.constant 0 : i32
          %dma_start3A_256 = tpu.memref_slice %dma_start3A_253[%dma_start3A_254, %dma_start3A_255] : memref<100000x128xf32, #tpu.memory_space<hbm>> -> memref<100000x128xf32, #tpu.memory_space<hbm>>
          tpu.enqueue_indirect_dma source(%dma_start3A_256 : memref<100000x128xf32, #tpu.memory_space<hbm>>) target(%dma_start3A_247 : memref<80x128xf32, #tpu.memory_space<vmem>>) offsets(%dma_start3A_250 : memref<80xi32, #tpu.memory_space<vmem>>) semaphore(%arg11 : memref<!tpu.dma_semaphore, #tpu.memory_space<semaphore_mem>>)
          %dma_start3A_257 = arith.constant 1 : i32
          %dma_start3A_258 = arith.constant 1 : i32
          %dma_start3A_259 = arith.constant 0 : i32
          %dma_start3A_260 = arith.constant 0 : i32
          %dma_start3A_261 = tpu.memref_slice %arg8[%dma_start3A_258, %dma_start3A_259, %dma_start3A_260] : memref<3x80x128xf32, #tpu.memory_space<vmem>> -> memref<1x80x128xf32, #tpu.memory_space<vmem>>
          %dma_start3A_262 = tpu.memref_squeeze %dma_start3A_261 : memref<1x80x128xf32, #tpu.memory_space<vmem>> -> memref<80x128xf32, #tpu.memory_space<vmem>>
          %dma_start3A_263 = arith.constant 0 : i32
          %dma_start3A_264 = tpu.memref_slice %arg6[%dma_start3A_257, %dma_start3A_263] : memref<3x80xi32, #tpu.memory_space<vmem>> -> memref<1x80xi32, #tpu.memory_space<vmem>>
          %dma_start3A_265 = tpu.memref_squeeze %dma_start3A_264 : memref<1x80xi32, #tpu.memory_space<vmem>> -> memref<80xi32, #tpu.memory_space<vmem>>
          %dma_start3A_266 = arith.constant 0 : i32
          %dma_start3A_267 = arith.constant 0 : i32
          %dma_start3A_268 = tpu.memref_slice %arg4[%dma_start3A_266, %dma_start3A_267] : memref<100000x128xf32, #tpu.memory_space<hbm>> -> memref<100000x128xf32, #tpu.memory_space<hbm>>
          tpu.enqueue_indirect_dma source(%dma_start3A_268 : memref<100000x128xf32, #tpu.memory_space<hbm>>) target(%dma_start3A_262 : memref<80x128xf32, #tpu.memory_space<vmem>>) offsets(%dma_start3A_265 : memref<80xi32, #tpu.memory_space<vmem>>) semaphore(%arg11 : memref<!tpu.dma_semaphore, #tpu.memory_space<semaphore_mem>>)
        } else {
        }
        %lt3A_139 = arith.constant 318 : i32
        %lt3A_140 = arith.cmpi slt, %scan3A_130, %lt3A_139 : i32
        %convert_element_type3A_141 = arith.extui %lt3A_140 : i1 to i32
        %cond3A_142 = arith.constant 0 : i32
        %cond3A_143 = arith.cmpi ne, %convert_element_type3A_141, %cond3A_142 : i32
        scf.if %cond3A_143 {
          %add3A_208 = arith.constant 2 : i32
          %add3A_209 = arith.addi %scan3A_130, %add3A_208 : i32
          %mul3A_210 = arith.constant 80 : i32
          %mul3A_211 = arith.muli %add3A_209, %mul3A_210 : i32
          %add3A_212 = arith.addi %mul3A_2, %mul3A_211 : i32
          %dma_start3A_213 = arith.constant 2 : i32
          %dma_start3A_214 = arith.constant 0 : i32
          %dma_start3A_215 = tpu.memref_slice %arg6[%dma_start3A_213, %dma_start3A_214] : memref<3x80xi32, #tpu.memory_space<vmem>> -> memref<1x80xi32, #tpu.memory_space<vmem>>
          %dma_start3A_216 = tpu.memref_squeeze %dma_start3A_215 : memref<1x80xi32, #tpu.memory_space<vmem>> -> memref<80xi32, #tpu.memory_space<vmem>>
          %dma_start3A_217 = tpu.memref_slice %arg2[%add3A_212] : memref<819200xi32, #tpu.memory_space<hbm>> -> memref<80xi32, #tpu.memory_space<hbm>>
          %dma_start3A_218 = arith.constant 0 : i32
          %dma_start3A_219 = tpu.memref_slice %arg6[%dma_start3A_213, %dma_start3A_218] : memref<3x80xi32, #tpu.memory_space<vmem>> -> memref<1x80xi32, #tpu.memory_space<vmem>>
          %dma_start3A_220 = tpu.memref_squeeze %dma_start3A_219 : memref<1x80xi32, #tpu.memory_space<vmem>> -> memref<80xi32, #tpu.memory_space<vmem>>
          %dma_start3A_221 = tpu.memref_slice %arg2[%add3A_212] : memref<819200xi32, #tpu.memory_space<hbm>> -> memref<80xi32, #tpu.memory_space<hbm>>
          tpu.enqueue_dma source(%dma_start3A_221 : memref<80xi32, #tpu.memory_space<hbm>>) target(%dma_start3A_220 : memref<80xi32, #tpu.memory_space<vmem>>) target_semaphore(%arg9 : memref<!tpu.dma_semaphore, #tpu.memory_space<semaphore_mem>>)
        } else {
        }
        %dma_wait3A_144 = arith.constant 0 : i32
        %dma_wait3A_145 = arith.constant 0 : i32
        %dma_wait3A_146 = arith.constant 0 : i32
        %dma_wait3A_147 = arith.constant 0 : i32
        %dma_wait3A_148 = tpu.memref_slice %arg8[%dma_wait3A_145, %dma_wait3A_146, %dma_wait3A_147] : memref<3x80x128xf32, #tpu.memory_space<vmem>> -> memref<1x80x128xf32, #tpu.memory_space<vmem>>
        %dma_wait3A_149 = tpu.memref_squeeze %dma_wait3A_148 : memref<1x80x128xf32, #tpu.memory_space<vmem>> -> memref<80x128xf32, #tpu.memory_space<vmem>>
        %dma_wait3A_150 = arith.constant 0 : i32
        %dma_wait3A_151 = tpu.memref_slice %arg6[%dma_wait3A_144, %dma_wait3A_150] : memref<3x80xi32, #tpu.memory_space<vmem>> -> memref<1x80xi32, #tpu.memory_space<vmem>>
        %dma_wait3A_152 = tpu.memref_squeeze %dma_wait3A_151 : memref<1x80xi32, #tpu.memory_space<vmem>> -> memref<80xi32, #tpu.memory_space<vmem>>
        %dma_wait3A_153 = arith.constant 0 : i32
        %dma_wait3A_154 = arith.constant 0 : i32
        %dma_wait3A_155 = tpu.memref_slice %arg4[%dma_wait3A_153, %dma_wait3A_154] : memref<100000x128xf32, #tpu.memory_space<hbm>> -> memref<100000x128xf32, #tpu.memory_space<hbm>>
        tpu.wait_indirect_dma semaphore(%arg10 : memref<!tpu.dma_semaphore, #tpu.memory_space<semaphore_mem>>) src(%dma_wait3A_155 : memref<100000x128xf32, #tpu.memory_space<hbm>>) dst(%dma_wait3A_149 : memref<80x128xf32, #tpu.memory_space<vmem>>)
        %dma_wait3A_156 = arith.constant 0 : i32
        %dma_wait3A_157 = arith.constant 0 : i32
        %dma_wait3A_158 = arith.constant 0 : i32
        %dma_wait3A_159 = arith.constant 0 : i32
        %dma_wait3A_160 = tpu.memref_slice %arg8[%dma_wait3A_157, %dma_wait3A_158, %dma_wait3A_159] : memref<3x80x128xf32, #tpu.memory_space<vmem>> -> memref<1x80x128xf32, #tpu.memory_space<vmem>>
        %dma_wait3A_161 = tpu.memref_squeeze %dma_wait3A_160 : memref<1x80x128xf32, #tpu.memory_space<vmem>> -> memref<80x128xf32, #tpu.memory_space<vmem>>
        %dma_wait3A_162 = arith.constant 0 : i32
        %dma_wait3A_163 = tpu.memref_slice %arg6[%dma_wait3A_156, %dma_wait3A_162] : memref<3x80xi32, #tpu.memory_space<vmem>> -> memref<1x80xi32, #tpu.memory_space<vmem>>
        %dma_wait3A_164 = tpu.memref_squeeze %dma_wait3A_163 : memref<1x80xi32, #tpu.memory_space<vmem>> -> memref<80xi32, #tpu.memory_space<vmem>>
        %dma_wait3A_165 = arith.constant 0 : i32
        %dma_wait3A_166 = arith.constant 0 : i32
        %dma_wait3A_167 = tpu.memref_slice %arg4[%dma_wait3A_165, %dma_wait3A_166] : memref<100000x128xf32, #tpu.memory_space<hbm>> -> memref<100000x128xf32, #tpu.memory_space<hbm>>
        tpu.wait_indirect_dma semaphore(%arg10 : memref<!tpu.dma_semaphore, #tpu.memory_space<semaphore_mem>>) src(%dma_wait3A_167 : memref<100000x128xf32, #tpu.memory_space<hbm>>) dst(%dma_wait3A_161 : memref<80x128xf32, #tpu.memory_space<vmem>>)
        %dma_wait3A_168 = arith.constant 0 : i32
        %dma_wait3A_169 = arith.constant 0 : i32
        %dma_wait3A_170 = arith.constant 0 : i32
        %dma_wait3A_171 = arith.constant 0 : i32
        %dma_wait3A_172 = tpu.memref_slice %arg8[%dma_wait3A_169, %dma_wait3A_170, %dma_wait3A_171] : memref<3x80x128xf32, #tpu.memory_space<vmem>> -> memref<1x80x128xf32, #tpu.memory_space<vmem>>
        %dma_wait3A_173 = tpu.memref_squeeze %dma_wait3A_172 : memref<1x80x128xf32, #tpu.memory_space<vmem>> -> memref<80x128xf32, #tpu.memory_space<vmem>>
        %dma_wait3A_174 = arith.constant 0 : i32
        %dma_wait3A_175 = tpu.memref_slice %arg6[%dma_wait3A_168, %dma_wait3A_174] : memref<3x80xi32, #tpu.memory_space<vmem>> -> memref<1x80xi32, #tpu.memory_space<vmem>>
        %dma_wait3A_176 = tpu.memref_squeeze %dma_wait3A_175 : memref<1x80xi32, #tpu.memory_space<vmem>> -> memref<80xi32, #tpu.memory_space<vmem>>
        %dma_wait3A_177 = arith.constant 0 : i32
        %dma_wait3A_178 = arith.constant 0 : i32
        %dma_wait3A_179 = tpu.memref_slice %arg4[%dma_wait3A_177, %dma_wait3A_178] : memref<100000x128xf32, #tpu.memory_space<hbm>> -> memref<100000x128xf32, #tpu.memory_space<hbm>>
        tpu.wait_indirect_dma semaphore(%arg10 : memref<!tpu.dma_semaphore, #tpu.memory_space<semaphore_mem>>) src(%dma_wait3A_179 : memref<100000x128xf32, #tpu.memory_space<hbm>>) dst(%dma_wait3A_173 : memref<80x128xf32, #tpu.memory_space<vmem>>)
        %iota3A = tpu.iota {dimensions = array<i32: 0>} : vector<16xi32>
        %add3A_180 = arith.constant 288 : i32
        %add3A_181 = vector.broadcast %add3A_180 : i32 to vector<16xi32>
        %add3A_182 = arith.addi %iota3A, %add3A_181 : vector<16xi32>
        %lt3A_183 = arith.constant 300 : i32
        %lt3A_184 = vector.broadcast %lt3A_183 : i32 to vector<16xi32>
        %lt3A_185 = arith.cmpi slt, %add3A_182, %lt3A_184 : vector<16xi32>
        %scan3A_186 = arith.constant 0 : i32
        %scan3A_187 = arith.constant 0 : i32
        %scan3A_188 = arith.constant 80 : i32
        %scan3A_189 = arith.addi %scan3A_187, %scan3A_188 : i32
        %scan3A_190 = arith.constant 1 : i32
        scf.for %scan3A_208 = %scan3A_187 to %scan3A_189 step %scan3A_190  : i32 {
          %get3A = arith.constant 0 : i32
          %get3A_209 = arith.index_cast %get3A : i32 to index
          %get3A_210 = arith.index_cast %scan3A_208 : i32 to index
          %get3A_211 = arith.constant 0 : index
          %get3A_212 = tpu.vector_load %arg8[%get3A_209, %get3A_210, %get3A_211] {strides = array<i32>} : memref<3x80x128xf32, #tpu.memory_space<vmem>>, vector<16xf32>,
          %swap3A = arith.constant 0 : i32
          %swap3A_213 = arith.index_cast %swap3A : i32 to index
          %swap3A_214 = arith.index_cast %scan3A_208 : i32 to index
          %swap3A_215 = arith.constant 256 : index
          %swap3A_216 = tpu.vector_load %arg7[%swap3A_213, %swap3A_214, %swap3A_215] {strides = array<i32>} : memref<3x80x300xf32, #tpu.memory_space<vmem>>, vector<16xf32>,
          tpu.vector_store %arg7[%swap3A_213, %swap3A_214, %swap3A_215], %get3A_212 {strides = array<i32>} : memref<3x80x300xf32, #tpu.memory_space<vmem>>, vector<16xf32>,
          %get3A_217 = arith.constant 0 : i32
          %get3A_218 = arith.index_cast %get3A_217 : i32 to index
          %get3A_219 = arith.index_cast %scan3A_208 : i32 to index
          %get3A_220 = arith.constant 16 : index
          %get3A_221 = tpu.vector_load %arg8[%get3A_218, %get3A_219, %get3A_220] {strides = array<i32>} : memref<3x80x128xf32, #tpu.memory_space<vmem>>, vector<16xf32>,
          %swap3A_222 = arith.constant 0 : i32
          %swap3A_223 = arith.index_cast %swap3A_222 : i32 to index
          %swap3A_224 = arith.index_cast %scan3A_208 : i32 to index
          %swap3A_225 = arith.constant 272 : index
          %swap3A_226 = tpu.vector_load %arg7[%swap3A_223, %swap3A_224, %swap3A_225] {strides = array<i32>} : memref<3x80x300xf32, #tpu.memory_space<vmem>>, vector<16xf32>,
          tpu.vector_store %arg7[%swap3A_223, %swap3A_224, %swap3A_225], %get3A_221 {strides = array<i32>} : memref<3x80x300xf32, #tpu.memory_space<vmem>>, vector<16xf32>,
          %get3A_227 = arith.constant 0 : i32
          %get3A_228 = arith.index_cast %get3A_227 : i32 to index
          %get3A_229 = arith.index_cast %scan3A_208 : i32 to index
          %get3A_230 = arith.constant 32 : index
          %get3A_231 = tpu.vector_load %arg8[%get3A_228, %get3A_229, %get3A_230] {strides = array<i32>} : memref<3x80x128xf32, #tpu.memory_space<vmem>>, vector<16xf32>,
          %broadcast_in_dim3A = vector.broadcast %scan3A_208 : i32 to vector<16xi32>
          %scatter3A = arith.constant 0 : i32
          %scatter3A_232 = arith.constant 0 : i32
          %scatter3A_233 = arith.constant 0 : i32
          %scatter3A_234 = tpu.memref_slice %arg7[%scatter3A, %scatter3A_232, %scatter3A_233] : memref<3x80x300xf32, #tpu.memory_space<vmem>> -> memref<1x80x300xf32, #tpu.memory_space<vmem>>
          %scatter3A_235 = tpu.memref_squeeze %scatter3A_234 : memref<1x80x300xf32, #tpu.memory_space<vmem>> -> memref<80x300xf32, #tpu.memory_space<vmem>>
          tpu.vector_store_idx %scatter3A_235[%broadcast_in_dim3A, %add3A_182], %get3A_231 masked %lt3A_185 : memref<80x300xf32, #tpu.memory_space<vmem>>[vector<16xi32>, vector<16xi32>], vector<16xf32>, vector<16xi1>
        }
        %scan3A_191 = arith.constant 80 : i32
        %mul3A_192 = arith.constant 80 : i32
        %mul3A_193 = arith.muli %scan3A_130, %mul3A_192 : i32
        %add3A_194 = arith.addi %mul3A_2, %mul3A_193 : i32
        %dma_start3A_195 = arith.constant 0 : i32
        %dma_start3A_196 = arith.constant 0 : i32
        %dma_start3A_197 = arith.constant 0 : i32
        %dma_start3A_198 = tpu.memref_slice %arg7[%dma_start3A_195, %dma_start3A_196, %dma_start3A_197] : memref<3x80x300xf32, #tpu.memory_space<vmem>> -> memref<1x80x300xf32, #tpu.memory_space<vmem>>
        %dma_start3A_199 = tpu.memref_squeeze %dma_start3A_198 : memref<1x80x300xf32, #tpu.memory_space<vmem>> -> memref<80x300xf32, #tpu.memory_space<vmem>>
        %dma_start3A_200 = arith.constant 0 : i32
        %dma_start3A_201 = tpu.memref_slice %arg5[%add3A_194, %dma_start3A_200] : memref<819200x300xf32, #tpu.memory_space<hbm>> -> memref<80x300xf32, #tpu.memory_space<hbm>>
        %dma_start3A_202 = arith.constant 0 : i32
        %dma_start3A_203 = tpu.memref_slice %arg5[%add3A_194, %dma_start3A_202] : memref<819200x300xf32, #tpu.memory_space<hbm>> -> memref<80x300xf32, #tpu.memory_space<hbm>>
        %dma_start3A_204 = arith.constant 0 : i32
        %dma_start3A_205 = arith.constant 0 : i32
        %dma_start3A_206 = tpu.memref_slice %arg7[%dma_start3A_195, %dma_start3A_204, %dma_start3A_205] : memref<3x80x300xf32, #tpu.memory_space<vmem>> -> memref<1x80x300xf32, #tpu.memory_space<vmem>>
        %dma_start3A_207 = tpu.memref_squeeze %dma_start3A_206 : memref<1x80x300xf32, #tpu.memory_space<vmem>> -> memref<80x300xf32, #tpu.memory_space<vmem>>
        tpu.enqueue_dma source(%dma_start3A_207 : memref<80x300xf32, #tpu.memory_space<vmem>>) target(%dma_start3A_203 : memref<80x300xf32, #tpu.memory_space<hbm>>) target_semaphore(%arg13 : memref<!tpu.dma_semaphore, #tpu.memory_space<semaphore_mem>>)
      }
    }
    %scan3A_84 = arith.constant 320 : i32
    %add3A_85 = arith.constant 25360 : i32
    %add3A_86 = arith.addi %mul3A_2, %add3A_85 : i32
    %dma_wait3A_87 = arith.constant 2 : i32
    %dma_wait3A_88 = arith.constant 0 : i32
    %dma_wait3A_89 = arith.constant 0 : i32
    %dma_wait3A_90 = tpu.memref_slice %arg7[%dma_wait3A_87, %dma_wait3A_88, %dma_wait3A_89] : memref<3x80x300xf32, #tpu.memory_space<vmem>> -> memref<1x80x300xf32, #tpu.memory_space<vmem>>
    %dma_wait3A_91 = tpu.memref_squeeze %dma_wait3A_90 : memref<1x80x300xf32, #tpu.memory_space<vmem>> -> memref<80x300xf32, #tpu.memory_space<vmem>>
    %dma_wait3A_92 = arith.constant 0 : i32
    %dma_wait3A_93 = tpu.memref_slice %arg5[%add3A_86, %dma_wait3A_92] : memref<819200x300xf32, #tpu.memory_space<hbm>> -> memref<80x300xf32, #tpu.memory_space<hbm>>
    %dma_wait3A_94 = arith.constant 0 : i32
    %dma_wait3A_95 = tpu.memref_slice %arg5[%add3A_86, %dma_wait3A_94] : memref<819200x300xf32, #tpu.memory_space<hbm>> -> memref<80x300xf32, #tpu.memory_space<hbm>>
    %dma_wait3A_96 = arith.constant 0 : i32
    %dma_wait3A_97 = arith.constant 0 : i32
    %dma_wait3A_98 = tpu.memref_slice %arg7[%dma_wait3A_87, %dma_wait3A_96, %dma_wait3A_97] : memref<3x80x300xf32, #tpu.memory_space<vmem>> -> memref<1x80x300xf32, #tpu.memory_space<vmem>>
    %dma_wait3A_99 = tpu.memref_squeeze %dma_wait3A_98 : memref<1x80x300xf32, #tpu.memory_space<vmem>> -> memref<80x300xf32, #tpu.memory_space<vmem>>
    tpu.wait_dma2 semaphore(%arg15 : memref<!tpu.dma_semaphore, #tpu.memory_space<semaphore_mem>>) src(%dma_wait3A_99 : memref<80x300xf32, #tpu.memory_space<vmem>>) dst(%dma_wait3A_95 : memref<80x300xf32, #tpu.memory_space<hbm>>)
    %add3A_100 = arith.constant 25440 : i32
    %add3A_101 = arith.addi %mul3A_2, %add3A_100 : i32
    %dma_wait3A_102 = arith.constant 0 : i32
    %dma_wait3A_103 = arith.constant 0 : i32
    %dma_wait3A_104 = arith.constant 0 : i32
    %dma_wait3A_105 = tpu.memref_slice %arg7[%dma_wait3A_102, %dma_wait3A_103, %dma_wait3A_104] : memref<3x80x300xf32, #tpu.memory_space<vmem>> -> memref<1x80x300xf32, #tpu.memory_space<vmem>>
    %dma_wait3A_106 = tpu.memref_squeeze %dma_wait3A_105 : memref<1x80x300xf32, #tpu.memory_space<vmem>> -> memref<80x300xf32, #tpu.memory_space<vmem>>
    %dma_wait3A_107 = arith.constant 0 : i32
    %dma_wait3A_108 = tpu.memref_slice %arg5[%add3A_101, %dma_wait3A_107] : memref<819200x300xf32, #tpu.memory_space<hbm>> -> memref<80x300xf32, #tpu.memory_space<hbm>>
    %dma_wait3A_109 = arith.constant 0 : i32
    %dma_wait3A_110 = tpu.memref_slice %arg5[%add3A_101, %dma_wait3A_109] : memref<819200x300xf32, #tpu.memory_space<hbm>> -> memref<80x300xf32, #tpu.memory_space<hbm>>
    %dma_wait3A_111 = arith.constant 0 : i32
    %dma_wait3A_112 = arith.constant 0 : i32
    %dma_wait3A_113 = tpu.memref_slice %arg7[%dma_wait3A_102, %dma_wait3A_111, %dma_wait3A_112] : memref<3x80x300xf32, #tpu.memory_space<vmem>> -> memref<1x80x300xf32, #tpu.memory_space<vmem>>
    %dma_wait3A_114 = tpu.memref_squeeze %dma_wait3A_113 : memref<1x80x300xf32, #tpu.memory_space<vmem>> -> memref<80x300xf32, #tpu.memory_space<vmem>>
    tpu.wait_dma2 semaphore(%arg13 : memref<!tpu.dma_semaphore, #tpu.memory_space<semaphore_mem>>) src(%dma_wait3A_114 : memref<80x300xf32, #tpu.memory_space<vmem>>) dst(%dma_wait3A_110 : memref<80x300xf32, #tpu.memory_space<hbm>>)
    %add3A_115 = arith.constant 25520 : i32
    %add3A_116 = arith.addi %mul3A_2, %add3A_115 : i32
    %dma_wait3A_117 = arith.constant 1 : i32
    %dma_wait3A_118 = arith.constant 0 : i32
    %dma_wait3A_119 = arith.constant 0 : i32
    %dma_wait3A_120 = tpu.memref_slice %arg7[%dma_wait3A_117, %dma_wait3A_118, %dma_wait3A_119] : memref<3x80x300xf32, #tpu.memory_space<vmem>> -> memref<1x80x300xf32, #tpu.memory_space<vmem>>
    %dma_wait3A_121 = tpu.memref_squeeze %dma_wait3A_120 : memref<1x80x300xf32, #tpu.memory_space<vmem>> -> memref<80x300xf32, #tpu.memory_space<vmem>>
    %dma_wait3A_122 = arith.constant 0 : i32
    %dma_wait3A_123 = tpu.memref_slice %arg5[%add3A_116, %dma_wait3A_122] : memref<819200x300xf32, #tpu.memory_space<hbm>> -> memref<80x300xf32, #tpu.memory_space<hbm>>
    %dma_wait3A_124 = arith.constant 0 : i32
    %dma_wait3A_125 = tpu.memref_slice %arg5[%add3A_116, %dma_wait3A_124] : memref<819200x300xf32, #tpu.memory_space<hbm>> -> memref<80x300xf32, #tpu.memory_space<hbm>>
    %dma_wait3A_126 = arith.constant 0 : i32
    %dma_wait3A_127 = arith.constant 0 : i32
    %dma_wait3A_128 = tpu.memref_slice %arg7[%dma_wait3A_117, %dma_wait3A_126, %dma_wait3A_127] : memref<3x80x300xf32, #tpu.memory_space<vmem>> -> memref<1x80x300xf32, #tpu.memory_space<vmem>>
    %dma_wait3A_129 = tpu.memref_squeeze %dma_wait3A_128 : memref<1x80x300xf32, #tpu.memory_space<vmem>> -> memref<80x300xf32, #tpu.memory_space<vmem>>
    tpu.wait_dma2 semaphore(%arg14 : memref<!tpu.dma_semaphore, #tpu.memory_space<semaphore_mem>>) src(%dma_wait3A_129 : memref<80x300xf32, #tpu.memory_space<vmem>>) dst(%dma_wait3A_125 : memref<80x300xf32, #tpu.memory_space<hbm>>)
    return
  }
}

</mosaic_0001>

<sc_bundles>
// kernel: _gather_rows.3.cloned.1.call-start
scs
__scs_entry_jumppad:
0x0: {  	(pc) =	sbr.rel $0x88, $3  }
0x1: {  	(tag) =	ssettag $0x0;
	lr =	simm.s32 $0x1  }
0x2: {  	[smem:$0x3F9E] =	sst lr;
	_ =	strace $0xD0000000  }
0x3: {  	_ = 	snop  }
0x4: {  	_ = 	snop  }
0x5: {  	_ = 	snop  }
0x6: {  	_ = 	snop  }
0x7: {  	_ = 	snop  }
__scs_overlays_trampoline_lowered:
0x8: {  	[smem:$0x3FAD] =	sst s0  }
0x9: {  	[smem:$0x3FAE] =	sst s1  }
0xa: {  	[smem:$0x3FAF] =	sst s2  }
0xb: {  	[smem:$0x3FB0] =	sst s3  }
0xc: {  	[smem:$0x3FB1] =	sst s4  }
0xd: {  	[smem:$0x3FB2] =	sst s5  }
0xe: {  	[smem:$0x3FB3] =	sst s6  }
0xf: {  	[smem:$0x3FB4] =	sst s7  }
0x10: {  	[smem:$0x3FB5] =	sst s8  }
0x11: {  	[smem:$0x3FB6] =	sst s9;
	s0 =	simm.s32 @!p0 $0x0  }
0x12: {  	s1 =	sld [smem:$0x3F9C];
	s0 =	simm.s32 @p0 $0x1  }
0x13: {  	[smem:$0x3FB7] =	sst s0;
	s0 =	simm.s32 @!p1 $0x0  }
0x14: {  	s2 =	sld [smem:$0x3F9B];
	s0 =	simm.s32 @p1 $0x1  }
0x15: {  	[smem:$0x3FB8] =	sst s0;
	s0 =	simm.s32 @!p2 $0x0  }
0x16: {  	s3 =	sld [smem:$0x3FDB];
	s0 =	simm.s32 @p2 $0x1  }
0x17: {  	s4 =	simm.s32 $0x1BF5;
	[smem:$0x3FBA] =	sst s0  }
0x18: {  	s0 =	sld [smem:$0x3F9D];
	_ =	swait.ge [sflag:s4], $0x0  }
0x19: {  	s7 =	sld [smem:$0x3F9E]  }
0x1a: {  	s8 =	sadd.s32 $0xFFFFE003, lr  }
0x1b: {  	s9 =	sadd.s32 $0xFFFFFEF7, lr;
	s5 =	simm.s32 $0xFFFFFFFF;
	p2 =	slt.u32 s8, $0xFFFFF086  }
0x1c: {  	p1 =	slt.u32 s9, $0xF7A;
	s5 =	simm.s32 @!p2 $0x0  }
0x1d: {  	s5 =	simm.s32 @p1 $0x1;
	p0 =	seq.s32 s7, s2  }
0x1e: {  	s7 =	smul.u32 @!p0 $0xF7A, s2;
	p2 =	seq.s32 @!p0 s5, $0x0  }
0x1f: {  	s9 =	smul.u32 $0xF7A, s1;
	s8 =	simm.s32 @!p0 $0x1BF5;
	p2 =	por !p2, p0  }
0x20: {  	[sflag:s8] =	ssyncset.s32 @!p0 $0xFFFFF086;
	s6 =	sadd.s32 @!p0 s3, s7;
	s7 =	simm.s32 @!p0 $0x108  }
0x21: {  	s3 =	sadd.s32 s3, s9;
	s6 =	sadd.s32 @!p0 $0x88, s6;
	s7 =	simm.s32 @p2 $0x1082  }
0x22: {  	[simem:s7], [sflag:s8] =	dma.local @!p0 [hbm:s6], $0xF7A  }
0x23: {  	s9 =	sor.u32 $0xD0000000, s2;
	s6 =	simm.s32 $0x108;
	_ =	swait.ge @!p0 [sflag:s8], $0x0  }
0x24: {  	s3 =	sadd.s32 $0x88, s3;
	s6 =	simm.s32 @!p1 $0x1082;
	[sflag:s4] =	ssyncset.s32 $0xFFFFF086  }
0x25: {  	[simem:s6], [sflag:s4] =	dma.local [hbm:s3], $0xF7A  }
0x26: {  	[smem:$0x3F9E] =	sst s1;
	(tag) =	ssettag s2;
	_ =	strace s9  }
0x27: {  	s1 =	sld [smem:$0x3FAE]  }
0x28: {  	s2 =	sld [smem:$0x3FAF]  }
0x29: {  	s4 =	sld [smem:$0x3FB1]  }
0x2a: {  	p0 =	seq.s32 s5, $0x0;
	s5 =	sld [smem:$0x3FB2]  }
0x2b: {  	s6 =	sld [smem:$0x3FB3]  }
0x2c: {  	s7 =	sld [smem:$0x3FB4]  }
0x2d: {  	s3 =	simm.s32 $0x108;
	s8 =	sld [smem:$0x3FB5]  }
0x2e: {  	s3 =	simm.s32 @!p0 $0x1082;
	s9 =	sld [smem:$0x3FB6]  }
0x2f: {  	lr =	sadd.s32 s0, s3;
	s0 =	sld [smem:$0x3FAD]  }
0x30: {  	s3 =	sld [smem:$0x3FB0]  }
0x31: {  	[smem:$0x3FB9] =	sst s10  }
0x32: {  	s10 =	sld [smem:$0x3FB7];
	_ =	sdelay $0x3  }
0x33: {  	p0 =	seq.s32 s10, $0x1;
	s10 =	sld [smem:$0x3FB9];
	_ =	sdelay $0x3  }
0x34: {  	[smem:$0x3FB9] =	sst s10  }
0x35: {  	s10 =	sld [smem:$0x3FB8];
	_ =	sdelay $0x3  }
0x36: {  	p1 =	seq.s32 s10, $0x1;
	s10 =	sld [smem:$0x3FB9];
	_ =	sdelay $0x3  }
0x37: {  	[smem:$0x3FB9] =	sst s10  }
0x38: {  	s10 =	sld [smem:$0x3FBA]  }
0x39: {  	_ = 	snop;
	(pc) =	sbr.ind lr, $3  }
0x3a: {  	_ = 	snop  }
0x3b: {  	_ = 	snop  }
0x3c: {  	p2 =	seq.s32 s10, $0x1;
	s10 =	sld [smem:$0x3FB9]  }
0x3d: {  	_ =	shalt  }
0x3e: {  	_ =	shalt  }
0x3f: {  	_ =	shalt  }
0x40: {  	_ =	shalt  }
0x41: {  	_ =	shalt  }
0x42: {  	_ =	shalt  }
0x43: {  	_ =	shalt  }
0x44: {  	_ =	shalt  }
0x45: {  	_ =	shalt  }
0x46: {  	_ =	shalt  }
0x47: {  	_ =	shalt  }
0x48: {  	_ =	shalt  }
0x49: {  	_ =	shalt  }
0x4a: {  	_ =	shalt  }
0x4b: {  	_ =	shalt  }
0x4c: {  	_ =	shalt  }
0x4d: {  	_ =	shalt  }
0x4e: {  	_ =	shalt  }
0x4f: {  	_ =	shalt  }
0x50: {  	_ =	shalt  }
0x51: {  	_ =	shalt  }
0x52: {  	_ =	shalt  }
0x53: {  	_ =	shalt  }
0x54: {  	_ =	shalt  }
0x55: {  	_ =	shalt  }
0x56: {  	_ =	shalt  }
0x57: {  	_ =	shalt  }
0x58: {  	_ =	shalt  }
0x59: {  	_ =	shalt  }
0x5a: {  	_ =	shalt  }
0x5b: {  	_ =	shalt  }
0x5c: {  	_ =	shalt  }
0x5d: {  	_ =	shalt  }
0x5e: {  	_ =	shalt  }
0x5f: {  	_ =	shalt  }
0x60: {  	_ =	shalt  }
0x61: {  	_ =	shalt  }
0x62: {  	_ =	shalt  }
0x63: {  	_ =	shalt  }
0x64: {  	_ =	shalt  }
0x65: {  	_ =	shalt  }
0x66: {  	_ =	shalt  }
0x67: {  	_ =	shalt  }
0x68: {  	_ =	shalt  }
0x69: {  	_ =	shalt  }
0x6a: {  	_ =	shalt  }
0x6b: {  	_ =	shalt  }
0x6c: {  	_ =	shalt  }
0x6d: {  	_ =	shalt  }
0x6e: {  	_ =	shalt  }
0x6f: {  	_ =	shalt  }
0x70: {  	_ =	shalt  }
0x71: {  	_ =	shalt  }
0x72: {  	_ =	shalt  }
0x73: {  	_ =	shalt  }
0x74: {  	_ =	shalt  }
0x75: {  	_ =	shalt  }
0x76: {  	_ =	shalt  }
0x77: {  	_ =	shalt  }
0x78: {  	_ =	shalt  }
0x79: {  	_ =	shalt  }
0x7a: {  	_ =	shalt  }
0x7b: {  	_ =	shalt  }
0x7c: {  	_ =	shalt  }
0x7d: {  	_ =	shalt  }
0x7e: {  	_ =	shalt  }
0x7f: {  	_ =	shalt  }
0x80: {  	_ =	shalt  }
0x81: {  	_ =	shalt  }
0x82: {  	_ =	shalt  }
0x83: {  	_ =	shalt  }
0x84: {  	_ =	shalt  }
0x85: {  	_ =	shalt  }
0x86: {  	_ =	shalt  }
0x87: {  	_ =	shalt  }
.Lfunc_end0:
.L_simem_size_0:
called_computation_lowered:
.L_overlay_start_0:
0x88: {  	s2 =	sld [smem:$0x3FD9]  }
0x89: {  	s3 =	sld [smem:$0x3FFE];
	_ =	sdelay $0x1  }
0x8a: {  	s1 =	srdreg.scid  }
0x8b: {  	s0 =	sand.u32 $0x1, s1  }
0x8c: {  	s17 =	sshll.u32 s0, $0xA;
	s2 =	sadd.s32 s3, s2  }
0x8d: {  	s2 =	sadd.s32 s2, s17  }
0x8e: {  	[smem:$0x3FC5] =	sst s2  }
0x8f: {  	_ = 	snop  }
0x90: {  	s2 =	sld [smem:$0x3FC9]  }
0x91: {  	s18 =	sld [smem:$0x3FC7]  }
0x92: {  	s4 =	sld [smem:$0x3FD0];
	(tm) =	ssettm $0x1  }
0x93: {  	s5 =	sld [smem:$0x3FFB];
	_ =	sdelay $0x3  }
0x94: {  	_ =	strace s5  }
0x95: {  	s5 =	sld [smem:$0x3FFC];
	_ =	sdelay $0x3  }
0x96: {  	_ =	strace s5  }
0x97: {  	s5 =	sld [smem:$0x3FFD];
	_ =	sdelay $0x3  }
0x98: {  	_ =	strace s5  }
0x99: {  	_ =	strace $0x8FFFFFFF  }
0x9a: {  	s19 =	sld [smem:$0x3FDB];
	_ =	sdelay $0x1  }
0x9b: {  	s6 =	simm.s32 $_scs_section_size  }
0x9c: {  	s7 =	simm.s32 $_size__tile_overlayer_lowered;
	s8 =	simm.s32 $_tile_overlayer_lowered  }
0x9d: {  	s22 =	simm.s32 $0x1BFF;
	s21 =	sshll.u32 s8, $0x1;
	s5 =	sadd.s32 s6, s19  }
0x9e: {  	s9 =	simm.s32 $0x0;
	s20 =	sshll.u32 s7, $0x1;
	s7 =	sadd.s32 s21, s5  }
0x9f: {  	[timem:s9], [sflag:s22] =	dma.local [hbm:s7], s20  }
0xa0: {  	_ =	swait.ge [sflag:s22], s20  }
0xa1: {  	s6 =	ssub.s32 $0x0, s20;
	[sflag:s22] =	ssyncset.done $0x0  }
0xa2: {  	[sflag:s22] =	ssyncadd.s32 s6;
	_ =	sdelay $0x1  }
0xa3: {  	s23 =	simm.s32 $0x1B8B  }
0xa4: {  	_ =	swait.ge [sflag:s23], $0x1  }
0xa5: {  	[sflag:s23] =	ssyncset.done $0x0  }
0xa6: {  	s25 =	simm.s32 $0x1B8E;
	s24 =	sld [smem:$0x3FFE];
	[sflag:s23] =	ssyncadd.s32 $0xFFFFFFFF  }
0xa7: {  	s26 =	simm.s32 $execute0_lowered;
	[smem:$0x3FD2] =	sst s25  }
0xa8: {  	s7 =	sshll.u32 s26, $0x1;
	_ =	strace $0x80000046;
	[dreg:$0x1] =	wrdreg $0xFFFFFFFF  }
0xa9: {  	s28 =	simm.s32 $_size_execute0_lowered;
	s5 =	sadd.s32 s5, s7;
	[dreg:$0x0] =	wrdreg $0x0  }
0xaa: {  	s7 =	sshll.u32 s28, $0x1;
	[dreg:$0x2] =	wrdreg s5  }
0xab: {  	[dreg:$0x3] =	wrdreg s7  }
0xac: {  	[dreg:$0x4] =	wrdreg $0xC0  }
0xad: {  	_ =	task [dreg:s9], $0x5FFFF  }
0xae: {  	[dreg:$0x1] =	wrdreg $0xFFFFFFFF  }
0xaf: {  	[dreg:$0x0] =	wrdreg $0x60  }
0xb0: {  	[dreg:$0x2] =	wrdreg s2  }
0xb1: {  	[dreg:$0x3] =	wrdreg s4  }
0xb2: {  	[dreg:$0x4] =	wrdreg s18  }
0xb3: {  	[dreg:$0x5] =	wrdreg s24  }
0xb4: {  	[dreg:$0x6] =	wrdreg $0x9  }
0xb5: {  	_ =	task.clear_ibuf [dreg:s9], $0x7FFFF;
	_ =	strace $0x90000046  }
0xb6: {  	s29 =	simm.s32 $0x9;
	_ =	strace $0x80000048  }
0xb7: {  	_ =	swait.ge [sflag:s29], $0x1  }
0xb8: {  	[sflag:s29] =	ssyncadd.s32 $0xFFFFFFFF  }
0xb9: {  	_ =	strace $0x90000048  }
0xba: {  	_ =	sfence  }
0xbb: {  	s30 =	sld [smem:$0x0];
	_ =	sdelay $0x2  }
0xbc: {  	s31 =	sshll.u32 s1, $0xD;
	s1 =	sshrl.u32 s1, $0x2  }
0xbd: {  	s3 =	sand.u32 $0x4000, s31;
	s1 =	sadd.s32 s1, s30  }
0xbe: {  	s0 =	sor.u32 s3, s0;
	s1 =	sshll.u32 s1, $0x11  }
0xbf: {  	s0 =	sor.u32 s1, s0  }
0xc0: {  	s0 =	sadd.s32 $0x8F2B, s0  }
0xc1: {  	[sflag:s0] =	ssyncadd.remote.s32 $0x1  }
0xc2: {  	_ =	sfence.sel $0xFFFF  }
0xc3: {  	[dreg:$0x0] =	wrdreg $0xFFFFFFFF;
	(pc) =	sbr.abs _section_cstart, $3  }
0xc4: {  	[dreg:$0x1] =	wrdreg $0xFFFFFFFF  }
0xc5: {  	_ =	task.clear_ibuf [dreg:s9], $0x2FFFF;
	_ =	strace $0x9FFFFFFF  }
0xc6: {  	(tm) =	ssettm $0x7FFFFFFF  }
0xc7: {  	_ =	shalt  }
tec
execute0_lowered:
.L_overlay_start_1:
0x0: {  	(tag) =	ssettag $0x1  }
0x1: {  	s1 =	rddreg [dreg:$0x0]  }
0x2: {  	s2 =	rddreg [dreg:$0x1]  }
0x3: {  	s0 =	srdreg.scid;
	s4 =	rddreg [dreg:$0x2]  }
0x4: {  	s3 =	stileid.u32;
	s7 =	rddreg [dreg:$0x3];
	s5 =	simm.s32 $0x0  }
0x5: {  	s13 =	simm.s32 $0x1;
	s14 =	simm.s32 $0x200;
	s30 =	simm.s32 $0x4200  }
0x6: {  	s31 =	simm.s32 $0x4E00;
	s10 =	simm.s32 $0x7200;
	s12 =	simm.s32 $0x50  }
0x7: {  	s15 =	simm.s32 $0x80;
	s16 =	simm.s32 $0x2;
	s17 =	simm.s32 $0x7A00  }
0x8: {  	s18 =	simm.s32 $0x3;
	s19 =	simm.s32 $0xF200;
	s20 =	simm.s32 $0x4  }
0x9: {  	s21 =	simm.s32 $0x0;
	s0 =	sand.u32 $0x1, s0;
	s3 =	sshll.u32 s3, $0x1  }
0xa: {  	[smem:$0x7FF] =	sst s5;
	s3 =	sor.u32 s0, s3;
	s0 =	ssub.s32 $0x2, s0  }
0xb: {  	s7 =	sadd.s32 $0x400, s7;
	s6 =	smul.u32 $0x6400, s3;
	s28 =	sshrl.u32 s0, $0x1  }
.Ltmp0:
0xc: {  	s9 =	sadd.s32 $0x80, s2;
	s0 =	ssub.s32 s0, s28;
	(pc) =	sbr.rel .LBB2_1-.Ltmp0, $4  }
0xd: {  	_ =	strace $0x80000047;
	s8 =	sshrl.u32 s6, $0x3;
	s0 =	smax.u32 s0, $0x1  }
0xe: {  	v3 =	vlaneseq.u32;
	s11 =	sor.u32 $0xA0, s6;
	s29 =	sadd.s32 s1, s8;
	[dreg:$0x7] =	wrdreg s0  }
0xf: {  	vm0 =	vmmov $0xff;
	v1 =	vshrl.u32 v3, $0x3;
	v0 =	vand.u32 $0x7, v3;
	s0 =	simm.s32 $0x6600;
	[dreg:$0x5] =	wrdreg s29;
	s3 =	sadd.s32 $0xA, s29  }
0x10: {  	v2 =	vor.u32 $0x8, v3;
	v3 =	vor.u32 $0x20, v3;
	v1 =	vmul.u32 $0x8, v1;
	s8 =	simm.s32 $0x16A00;
	[dreg:$0x6] =	wrdreg s3;
	s3 =	simm.s32 $0x5A00  }
.LBB2_20:
0x11: {  	s22 =	simm.s32 $0x7  }
0x12: {  	_ =	swait.ge [sflag:s22], $0x7800  }
0x13: {  	[sflag:s22] =	ssyncset.done $0x0  }
0x14: {  	s28 =	simm.s32 $0x5;
	[sflag:s22] =	ssyncadd.s32 $0xFFFF8800  }
0x15: {  	_ =	swait.ge [sflag:s28], $0x7800  }
0x16: {  	[sflag:s28] =	ssyncset.done $0x0  }
0x17: {  	s23 =	simm.s32 $0x6;
	[sflag:s28] =	ssyncadd.s32 $0xFFFF8800  }
0x18: {  	_ =	swait.ge [sflag:s23], $0x7800  }
0x19: {  	s21 =	sadd.s32 $0x1, s21;
	s29 =	rddreg [dreg:$0x7]  }
0x1a: {  	p0 =	sne.s32 s21, s29  }
.Ltmp1:
0x1b: {  	_ = 	snop;
	(pc) =	sbr.rel @!p0 .LBB2_21-.Ltmp1, $3  }
0x1c: {  	_ =	sdelay $0x1  }
0x1d: {  	[sflag:s23] =	ssyncset.done $0x0  }
0x1e: {  	[sflag:s23] =	ssyncadd.s32 $0xFFFF8800  }
.LBB2_1:
0x1f: {  	s22 =	rddreg [dreg:$0x5]  }
0x20: {  	[tilespmem:s5], [sflag:$0x1] =	stream.linear.gather [hbm4b:s22+s5], $0x50, $0x38;
	[tilespmem:$0x1E200] =	vst v63  }
0x21: {  	_ =	swait.ge [sflag:s13], $0x50  }
0x22: {  	[sflag:s13] =	ssyncset.done $0x0  }
0x23: {  	[sflag:s13] =	ssyncadd.s32 $0xFFFFFFB0  }
0x24: {  	v4 =	vld [tilespmem:$0x0];
	_ =	sdelay $0x4  }
0x25: {  	v5 =	vshrl.u32 v4, $0x3  }
0x26: {  	v5 =	vmul.u32 $0x18, v5  }
0x27: {  	v4 =	vand.u32 $0x7, v4  }
0x28: {  	v4 =	vor.u32 v4, v5  }
0x29: {  	v5 =	vperm.xlane v4, v0;
	_ =	sdelay $0x1  }
0x2a: {  	v4 =	vperm.xlane v4, v2;
	v5 =	vadd.s32 v1, v5;
	_ =	sdelay $0x1  }
0x2b: {  	v4 =	vadd.s32 v1, v4;
	_ =	sdelay $0x2  }
0x2c: {  	[tilespmem:s14], [sflag:$0x2] =	stream.indirect_vreg.gather [hbm4b:s2+s5], $0x80, v5, vm0, $0xb8;
	[tilespmem:$0x1E200] =	vst v63  }
0x2d: {  	s26 =	simm.s32 $0xE00  }
0x2e: {  	[tilespmem:s26], [sflag:$0x2] =	stream.indirect_vreg.gather [hbm4b:s2+s5], $0x80, v4, vm0, $0xb8;
	[tilespmem:$0x1E200] =	vst v63  }
0x2f: {  	v4 =	vld [tilespmem:$0x10];
	_ =	sdelay $0x4  }
0x30: {  	v5 =	vshrl.u32 v4, $0x3  }
0x31: {  	v5 =	vmul.u32 $0x18, v5  }
0x32: {  	v4 =	vand.u32 $0x7, v4  }
0x33: {  	v4 =	vor.u32 v4, v5  }
0x34: {  	v5 =	vperm.xlane v4, v0;
	_ =	sdelay $0x1  }
0x35: {  	v4 =	vperm.xlane v4, v2;
	v5 =	vadd.s32 v1, v5;
	_ =	sdelay $0x1  }
0x36: {  	v4 =	vadd.s32 v1, v4;
	_ =	sdelay $0x1  }
0x37: {  	s28 =	simm.s32 $0x1A00  }
0x38: {  	[tilespmem:s28], [sflag:$0x2] =	stream.indirect_vreg.gather [hbm4b:s2+s5], $0x80, v5, vm0, $0xb8;
	[tilespmem:$0x1E200] =	vst v63  }
0x39: {  	s29 =	simm.s32 $0x2600  }
0x3a: {  	[tilespmem:s29], [sflag:$0x2] =	stream.indirect_vreg.gather [hbm4b:s2+s5], $0x80, v4, vm0, $0xb8;
	[tilespmem:$0x1E200] =	vst v63  }
0x3b: {  	v4 =	vld [tilespmem:$0x20];
	_ =	sdelay $0x4  }
0x3c: {  	v5 =	vshrl.u32 v4, $0x3  }
0x3d: {  	v5 =	vmul.u32 $0x18, v5  }
0x3e: {  	v4 =	vand.u32 $0x7, v4  }
0x3f: {  	v4 =	vor.u32 v4, v5  }
0x40: {  	v5 =	vperm.xlane v4, v0;
	_ =	sdelay $0x1  }
0x41: {  	v4 =	vperm.xlane v4, v2;
	v5 =	vadd.s32 v1, v5;
	_ =	sdelay $0x1  }
0x42: {  	v4 =	vadd.s32 v1, v4;
	_ =	sdelay $0x1  }
0x43: {  	s23 =	simm.s32 $0x3200  }
0x44: {  	[tilespmem:s23], [sflag:$0x2] =	stream.indirect_vreg.gather [hbm4b:s2+s5], $0x80, v5, vm0, $0xb8;
	[tilespmem:$0x1E200] =	vst v63  }
0x45: {  	s24 =	simm.s32 $0x3E00  }
0x46: {  	[tilespmem:s24], [sflag:$0x2] =	stream.indirect_vreg.gather [hbm4b:s2+s5], $0x80, v4, vm0, $0xb8;
	[tilespmem:$0x1E200] =	vst v63  }
0x47: {  	v4 =	vld [tilespmem:$0x30];
	_ =	sdelay $0x4  }
0x48: {  	v5 =	vshrl.u32 v4, $0x3  }
0x49: {  	v5 =	vmul.u32 $0x18, v5  }
0x4a: {  	v4 =	vand.u32 $0x7, v4  }
0x4b: {  	v4 =	vor.u32 v4, v5  }
0x4c: {  	v5 =	vperm.xlane v4, v0;
	_ =	sdelay $0x1  }
0x4d: {  	v4 =	vperm.xlane v4, v2;
	v5 =	vadd.s32 v1, v5;
	_ =	sdelay $0x1  }
0x4e: {  	v4 =	vadd.s32 v1, v4;
	_ =	sdelay $0x1  }
0x4f: {  	s25 =	simm.s32 $0x4A00  }
0x50: {  	[tilespmem:s25], [sflag:$0x2] =	stream.indirect_vreg.gather [hbm4b:s2+s5], $0x80, v5, vm0, $0xb8;
	[tilespmem:$0x1E200] =	vst v63  }
0x51: {  	s26 =	simm.s32 $0x5600  }
0x52: {  	[tilespmem:s26], [sflag:$0x2] =	stream.indirect_vreg.gather [hbm4b:s2+s5], $0x80, v4, vm0, $0xb8;
	[tilespmem:$0x1E200] =	vst v63  }
0x53: {  	v4 =	vld [tilespmem:$0x40];
	_ =	sdelay $0x4  }
0x54: {  	v5 =	vshrl.u32 v4, $0x3  }
0x55: {  	v5 =	vmul.u32 $0x18, v5  }
0x56: {  	v4 =	vand.u32 $0x7, v4  }
0x57: {  	v4 =	vor.u32 v4, v5  }
0x58: {  	v5 =	vperm.xlane v4, v0;
	_ =	sdelay $0x1  }
0x59: {  	v4 =	vperm.xlane v4, v2;
	v5 =	vadd.s32 v1, v5;
	_ =	sdelay $0x1  }
0x5a: {  	v4 =	vadd.s32 v1, v4;
	_ =	sdelay $0x1  }
0x5b: {  	s28 =	simm.s32 $0x6200  }
0x5c: {  	[tilespmem:s28], [sflag:$0x2] =	stream.indirect_vreg.gather [hbm4b:s2+s5], $0x80, v5, vm0, $0xb8;
	[tilespmem:$0x1E200] =	vst v63  }
0x5d: {  	s29 =	simm.s32 $0x6E00  }
0x5e: {  	[tilespmem:s29], [sflag:$0x2] =	stream.indirect_vreg.gather [hbm4b:s2+s5], $0x80, v4, vm0, $0xb8;
	[tilespmem:$0x1E200] =	vst v63  }
0x5f: {  	v4 =	vld [tilespmem:$0x0];
	_ =	sdelay $0x4  }
0x60: {  	v5 =	vshrl.u32 v4, $0x3  }
0x61: {  	v5 =	vmul.u32 $0x18, v5  }
0x62: {  	v4 =	vand.u32 $0x7, v4  }
0x63: {  	v4 =	vor.u32 v4, v5  }
0x64: {  	v5 =	vperm.xlane v4, v0;
	_ =	sdelay $0x1  }
0x65: {  	v4 =	vperm.xlane v4, v2;
	v5 =	vadd.s32 v1, v5;
	_ =	sdelay $0x1  }
0x66: {  	v4 =	vadd.s32 v1, v4;
	_ =	sdelay $0x1  }
0x67: {  	s23 =	simm.s32 $0x600  }
0x68: {  	[tilespmem:s23], [sflag:$0x2] =	stream.indirect_vreg.gather [hbm4b:s9+s5], $0x80, v5, vm0, $0xb8;
	[tilespmem:$0x1E200] =	vst v63  }
0x69: {  	s24 =	simm.s32 $0x1200  }
0x6a: {  	[tilespmem:s24], [sflag:$0x2] =	stream.indirect_vreg.gather [hbm4b:s9+s5], $0x80, v4, vm0, $0xb8;
	[tilespmem:$0x1E200] =	vst v63  }
0x6b: {  	v4 =	vld [tilespmem:$0x10];
	_ =	sdelay $0x4  }
0x6c: {  	v5 =	vshrl.u32 v4, $0x3  }
0x6d: {  	v5 =	vmul.u32 $0x18, v5  }
0x6e: {  	v4 =	vand.u32 $0x7, v4  }
0x6f: {  	v4 =	vor.u32 v4, v5  }
0x70: {  	v5 =	vperm.xlane v4, v0;
	_ =	sdelay $0x1  }
0x71: {  	v4 =	vperm.xlane v4, v2;
	v5 =	vadd.s32 v1, v5;
	_ =	sdelay $0x1  }
0x72: {  	v4 =	vadd.s32 v1, v4;
	_ =	sdelay $0x1  }
0x73: {  	s25 =	simm.s32 $0x1E00  }
0x74: {  	[tilespmem:s25], [sflag:$0x2] =	stream.indirect_vreg.gather [hbm4b:s9+s5], $0x80, v5, vm0, $0xb8;
	[tilespmem:$0x1E200] =	vst v63  }
0x75: {  	s26 =	simm.s32 $0x2A00  }
0x76: {  	[tilespmem:s26], [sflag:$0x2] =	stream.indirect_vreg.gather [hbm4b:s9+s5], $0x80, v4, vm0, $0xb8;
	[tilespmem:$0x1E200] =	vst v63  }
0x77: {  	v4 =	vld [tilespmem:$0x20];
	_ =	sdelay $0x4  }
0x78: {  	v5 =	vshrl.u32 v4, $0x3  }
0x79: {  	v5 =	vmul.u32 $0x18, v5  }
0x7a: {  	v4 =	vand.u32 $0x7, v4  }
0x7b: {  	v4 =	vor.u32 v4, v5  }
0x7c: {  	v5 =	vperm.xlane v4, v0;
	_ =	sdelay $0x1  }
0x7d: {  	v4 =	vperm.xlane v4, v2;
	v5 =	vadd.s32 v1, v5;
	_ =	sdelay $0x1  }
0x7e: {  	v4 =	vadd.s32 v1, v4;
	_ =	sdelay $0x1  }
0x7f: {  	s28 =	simm.s32 $0x3600  }
0x80: {  	[tilespmem:s28], [sflag:$0x2] =	stream.indirect_vreg.gather [hbm4b:s9+s5], $0x80, v5, vm0, $0xb8;
	[tilespmem:$0x1E200] =	vst v63  }
0x81: {  	_ = 	snop  }
0x82: {  	[tilespmem:s30], [sflag:$0x2] =	stream.indirect_vreg.gather [hbm4b:s9+s5], $0x80, v4, vm0, $0xb8;
	[tilespmem:$0x1E200] =	vst v63  }
0x83: {  	v4 =	vld [tilespmem:$0x30];
	_ =	sdelay $0x4  }
0x84: {  	v5 =	vshrl.u32 v4, $0x3  }
0x85: {  	v5 =	vmul.u32 $0x18, v5  }
0x86: {  	v4 =	vand.u32 $0x7, v4  }
0x87: {  	v4 =	vor.u32 v4, v5  }
0x88: {  	v5 =	vperm.xlane v4, v0;
	_ =	sdelay $0x1  }
0x89: {  	v4 =	vperm.xlane v4, v2;
	v5 =	vadd.s32 v1, v5;
	_ =	sdelay $0x1  }
0x8a: {  	v4 =	vadd.s32 v1, v4;
	_ =	sdelay $0x2  }
0x8b: {  	[tilespmem:s31], [sflag:$0x2] =	stream.indirect_vreg.gather [hbm4b:s9+s5], $0x80, v5, vm0, $0xb8;
	[tilespmem:$0x1E200] =	vst v63  }
0x8c: {  	_ = 	snop  }
0x8d: {  	[tilespmem:s3], [sflag:$0x2] =	stream.indirect_vreg.gather [hbm4b:s9+s5], $0x80, v4, vm0, $0xb8;
	[tilespmem:$0x1E200] =	vst v63  }
0x8e: {  	v4 =	vld [tilespmem:$0x40];
	_ =	sdelay $0x4  }
0x8f: {  	v5 =	vshrl.u32 v4, $0x3  }
0x90: {  	v5 =	vmul.u32 $0x18, v5  }
0x91: {  	v4 =	vand.u32 $0x7, v4  }
0x92: {  	v4 =	vor.u32 v4, v5  }
0x93: {  	v5 =	vperm.xlane v4, v0;
	_ =	sdelay $0x1  }
0x94: {  	v4 =	vperm.xlane v4, v2;
	v5 =	vadd.s32 v1, v5;
	_ =	sdelay $0x1  }
0x95: {  	v4 =	vadd.s32 v1, v4;
	_ =	sdelay $0x2  }
0x96: {  	[tilespmem:s0], [sflag:$0x2] =	stream.indirect_vreg.gather [hbm4b:s9+s5], $0x80, v5, vm0, $0xb8;
	[tilespmem:$0x1E200] =	vst v63  }
0x97: {  	_ = 	snop  }
0x98: {  	[tilespmem:s10], [sflag:$0x2] =	stream.indirect_vreg.gather [hbm4b:s9+s5], $0x80, v4, vm0, $0xb8;
	[tilespmem:$0x1E200] =	vst v63  }
.Ltmp2:
0x99: {  	_ = 	snop;
	(pc) =	sbr.rel .LBB2_2-.Ltmp2, $4  }
0x9a: {  	_ = 	snop  }
0x9b: {  	[tilespmem:s8], [sflag:$0x2] =	stream.indirect.gather [hbm4b:s4+s12], $0x80, s5, s12, $0xb8;
	[tilespmem:$0x1E200] =	vst v63  }
0x9c: {  	s22 =	simm.s32 $0x0;
	s29 =	rddreg [dreg:$0x6]  }
0x9d: {  	[tilespmem:s15], [sflag:$0x1] =	stream.linear.gather [hbm4b:s29+s5], $0x50, $0x38;
	[tilespmem:$0x1E200] =	vst v63  }
.LBB2_19:
0x9e: {  	s22 =	sadd.s32 $0x1, s22  }
0x9f: {  	p0 =	sne.s32 s22, $0x140  }
.Ltmp3:
0xa0: {  	_ = 	snop;
	(pc) =	sbr.rel @!p0 .LBB2_20-.Ltmp3, $1  }
0xa1: {  	_ =	sdelay $0x3  }
.LBB2_2:
0xa2: {  	s23 =	smul.u32 $0xAAAB, s22;
	_ =	sdelay $0x1  }
0xa3: {  	s23 =	sshrl.u32 s23, $0x11  }
0xa4: {  	s23 =	smul.u32 $0x3, s23;
	_ =	sdelay $0x1  }
0xa5: {  	s23 =	ssub.s32 s22, s23  }
0xa6: {  	s23 =	sand.u32 $0xFFFF, s23  }
0xa7: {  	p1 =	seq.s32 s23, $0x0  }
.Ltmp4:
0xa8: {  	_ = 	snop;
	(pc) =	sbr.rel @p1 .LBB2_14-.Ltmp4, $2  }
0xa9: {  	_ =	sdelay $0x2  }
0xaa: {  	p0 =	seq.s32 s22, $0x13F  }
0xab: {  	p1 =	seq.s32 s23, $0x1  }
.Ltmp5:
0xac: {  	_ = 	snop;
	(pc) =	sbr.rel @!p1 .LBB2_4-.Ltmp5, $1  }
0xad: {  	_ =	sdelay $0x3  }
.Ltmp6:
0xae: {  	(pc) =	sbr.rel @p0 .LBB2_11-.Ltmp6, $1  }
0xaf: {  	_ =	sdelay $0x3  }
0xb0: {  	_ =	swait.ge [sflag:s13], $0x50  }
0xb1: {  	p0 =	slt.u32 s22, $0x2;
	[sflag:s13] =	ssyncset.done $0x0  }
0xb2: {  	s23 =	simm.s32 @!p0 $0x7;
	[sflag:s13] =	ssyncadd.s32 $0xFFFFFFB0  }
0xb3: {  	_ =	swait.ge @!p0 [sflag:s23], $0x7800  }
0xb4: {  	[sflag:s23] =	ssyncset.done @!p0 $0x0  }
0xb5: {  	[sflag:s23] =	ssyncadd.s32 @!p0 $0xFFFF8800  }
0xb6: {  	v4 =	vld [tilespmem:$0x100];
	_ =	sdelay $0x4  }
0xb7: {  	v5 =	vshrl.u32 v4, $0x3  }
0xb8: {  	v5 =	vmul.u32 $0x18, v5  }
0xb9: {  	v4 =	vand.u32 $0x7, v4  }
0xba: {  	v4 =	vor.u32 v4, v5  }
0xbb: {  	v5 =	vperm.xlane v4, v0;
	_ =	sdelay $0x1  }
0xbc: {  	v4 =	vperm.xlane v4, v2;
	v5 =	vadd.s32 v1, v5;
	_ =	sdelay $0x1  }
0xbd: {  	v4 =	vadd.s32 v1, v4;
	_ =	sdelay $0x2  }
0xbe: {  	[tilespmem:s19], [sflag:$0x4] =	stream.indirect_vreg.gather [hbm4b:s2+s5], $0x80, v5, vm0, $0xb8;
	[tilespmem:$0x1E200] =	vst v63  }
0xbf: {  	s25 =	simm.s32 $0xFE00  }
0xc0: {  	[tilespmem:s25], [sflag:$0x4] =	stream.indirect_vreg.gather [hbm4b:s2+s5], $0x80, v4, vm0, $0xb8;
	[tilespmem:$0x1E200] =	vst v63  }
0xc1: {  	v4 =	vld [tilespmem:$0x110];
	_ =	sdelay $0x4  }
0xc2: {  	v5 =	vshrl.u32 v4, $0x3  }
0xc3: {  	v5 =	vmul.u32 $0x18, v5  }
0xc4: {  	v4 =	vand.u32 $0x7, v4  }
0xc5: {  	v4 =	vor.u32 v4, v5  }
0xc6: {  	v5 =	vperm.xlane v4, v0;
	_ =	sdelay $0x1  }
0xc7: {  	v4 =	vperm.xlane v4, v2;
	v5 =	vadd.s32 v1, v5;
	_ =	sdelay $0x1  }
0xc8: {  	v4 =	vadd.s32 v1, v4;
	_ =	sdelay $0x1  }
0xc9: {  	s26 =	simm.s32 $0x10A00  }
0xca: {  	[tilespmem:s26], [sflag:$0x4] =	stream.indirect_vreg.gather [hbm4b:s2+s5], $0x80, v5, vm0, $0xb8;
	[tilespmem:$0x1E200] =	vst v63  }
0xcb: {  	s28 =	simm.s32 $0x11600  }
0xcc: {  	[tilespmem:s28], [sflag:$0x4] =	stream.indirect_vreg.gather [hbm4b:s2+s5], $0x80, v4, vm0, $0xb8;
	[tilespmem:$0x1E200] =	vst v63  }
0xcd: {  	v4 =	vld [tilespmem:$0x120];
	_ =	sdelay $0x4  }
0xce: {  	v5 =	vshrl.u32 v4, $0x3  }
0xcf: {  	v5 =	vmul.u32 $0x18, v5  }
0xd0: {  	v4 =	vand.u32 $0x7, v4  }
0xd1: {  	v4 =	vor.u32 v4, v5  }
0xd2: {  	v5 =	vperm.xlane v4, v0;
	_ =	sdelay $0x1  }
0xd3: {  	v4 =	vperm.xlane v4, v2;
	v5 =	vadd.s32 v1, v5;
	_ =	sdelay $0x1  }
0xd4: {  	v4 =	vadd.s32 v1, v4;
	_ =	sdelay $0x1  }
0xd5: {  	s29 =	simm.s32 $0x12200  }
0xd6: {  	[tilespmem:s29], [sflag:$0x4] =	stream.indirect_vreg.gather [hbm4b:s2+s5], $0x80, v5, vm0, $0xb8;
	[tilespmem:$0x1E200] =	vst v63  }
0xd7: {  	s24 =	simm.s32 $0x12E00  }
0xd8: {  	[tilespmem:s24], [sflag:$0x4] =	stream.indirect_vreg.gather [hbm4b:s2+s5], $0x80, v4, vm0, $0xb8;
	[tilespmem:$0x1E200] =	vst v63  }
0xd9: {  	v4 =	vld [tilespmem:$0x130];
	_ =	sdelay $0x4  }
0xda: {  	v5 =	vshrl.u32 v4, $0x3  }
0xdb: {  	v5 =	vmul.u32 $0x18, v5  }
0xdc: {  	v4 =	vand.u32 $0x7, v4  }
0xdd: {  	v4 =	vor.u32 v4, v5  }
0xde: {  	v5 =	vperm.xlane v4, v0;
	_ =	sdelay $0x1  }
0xdf: {  	v4 =	vperm.xlane v4, v2;
	v5 =	vadd.s32 v1, v5;
	_ =	sdelay $0x1  }
0xe0: {  	v4 =	vadd.s32 v1, v4;
	_ =	sdelay $0x1  }
0xe1: {  	s25 =	simm.s32 $0x13A00  }
0xe2: {  	[tilespmem:s25], [sflag:$0x4] =	stream.indirect_vreg.gather [hbm4b:s2+s5], $0x80, v5, vm0, $0xb8;
	[tilespmem:$0x1E200] =	vst v63  }
0xe3: {  	s26 =	simm.s32 $0x14600  }
0xe4: {  	[tilespmem:s26], [sflag:$0x4] =	stream.indirect_vreg.gather [hbm4b:s2+s5], $0x80, v4, vm0, $0xb8;
	[tilespmem:$0x1E200] =	vst v63  }
0xe5: {  	v4 =	vld [tilespmem:$0x140];
	_ =	sdelay $0x4  }
0xe6: {  	v5 =	vshrl.u32 v4, $0x3  }
0xe7: {  	v5 =	vmul.u32 $0x18, v5  }
0xe8: {  	v4 =	vand.u32 $0x7, v4  }
0xe9: {  	v4 =	vor.u32 v4, v5  }
0xea: {  	v5 =	vperm.xlane v4, v0;
	_ =	sdelay $0x1  }
0xeb: {  	v4 =	vperm.xlane v4, v2;
	v5 =	vadd.s32 v1, v5;
	_ =	sdelay $0x1  }
0xec: {  	v4 =	vadd.s32 v1, v4;
	_ =	sdelay $0x1  }
0xed: {  	s28 =	simm.s32 $0x15200  }
0xee: {  	[tilespmem:s28], [sflag:$0x4] =	stream.indirect_vreg.gather [hbm4b:s2+s5], $0x80, v5, vm0, $0xb8;
	[tilespmem:$0x1E200] =	vst v63  }
0xef: {  	s29 =	simm.s32 $0x15E00  }
0xf0: {  	[tilespmem:s29], [sflag:$0x4] =	stream.indirect_vreg.gather [hbm4b:s2+s5], $0x80, v4, vm0, $0xb8;
	[tilespmem:$0x1E200] =	vst v63  }
0xf1: {  	v4 =	vld [tilespmem:$0x100];
	_ =	sdelay $0x4  }
0xf2: {  	v5 =	vshrl.u32 v4, $0x3  }
0xf3: {  	v5 =	vmul.u32 $0x18, v5  }
0xf4: {  	v4 =	vand.u32 $0x7, v4  }
0xf5: {  	v4 =	vor.u32 v4, v5  }
0xf6: {  	v5 =	vperm.xlane v4, v0;
	_ =	sdelay $0x1  }
0xf7: {  	v4 =	vperm.xlane v4, v2;
	v5 =	vadd.s32 v1, v5;
	_ =	sdelay $0x1  }
0xf8: {  	v4 =	vadd.s32 v1, v4;
	_ =	sdelay $0x1  }
0xf9: {  	s24 =	simm.s32 $0xF600  }
0xfa: {  	[tilespmem:s24], [sflag:$0x4] =	stream.indirect_vreg.gather [hbm4b:s9+s5], $0x80, v5, vm0, $0xb8;
	[tilespmem:$0x1E200] =	vst v63  }
0xfb: {  	s25 =	simm.s32 $0x10200  }
0xfc: {  	[tilespmem:s25], [sflag:$0x4] =	stream.indirect_vreg.gather [hbm4b:s9+s5], $0x80, v4, vm0, $0xb8;
	[tilespmem:$0x1E200] =	vst v63  }
0xfd: {  	v4 =	vld [tilespmem:$0x110];
	_ =	sdelay $0x4  }
0xfe: {  	v5 =	vshrl.u32 v4, $0x3  }
0xff: {  	v5 =	vmul.u32 $0x18, v5  }
0x100: {  	v4 =	vand.u32 $0x7, v4  }
0x101: {  	v4 =	vor.u32 v4, v5  }
0x102: {  	v5 =	vperm.xlane v4, v0;
	_ =	sdelay $0x1  }
0x103: {  	v4 =	vperm.xlane v4, v2;
	v5 =	vadd.s32 v1, v5;
	_ =	sdelay $0x1  }
0x104: {  	v4 =	vadd.s32 v1, v4;
	_ =	sdelay $0x1  }
0x105: {  	s26 =	simm.s32 $0x10E00  }
0x106: {  	[tilespmem:s26], [sflag:$0x4] =	stream.indirect_vreg.gather [hbm4b:s9+s5], $0x80, v5, vm0, $0xb8;
	[tilespmem:$0x1E200] =	vst v63  }
0x107: {  	s28 =	simm.s32 $0x11A00  }
0x108: {  	[tilespmem:s28], [sflag:$0x4] =	stream.indirect_vreg.gather [hbm4b:s9+s5], $0x80, v4, vm0, $0xb8;
	[tilespmem:$0x1E200] =	vst v63  }
0x109: {  	v4 =	vld [tilespmem:$0x120];
	_ =	sdelay $0x4  }
0x10a: {  	v5 =	vshrl.u32 v4, $0x3  }
0x10b: {  	v5 =	vmul.u32 $0x18, v5  }
0x10c: {  	v4 =	vand.u32 $0x7, v4  }
0x10d: {  	v4 =	vor.u32 v4, v5  }
0x10e: {  	v5 =	vperm.xlane v4, v0;
	_ =	sdelay $0x1  }
0x10f: {  	v4 =	vperm.xlane v4, v2;
	v5 =	vadd.s32 v1, v5;
	_ =	sdelay $0x1  }
0x110: {  	v4 =	vadd.s32 v1, v4;
	_ =	sdelay $0x1  }
0x111: {  	s29 =	simm.s32 $0x12600  }
0x112: {  	[tilespmem:s29], [sflag:$0x4] =	stream.indirect_vreg.gather [hbm4b:s9+s5], $0x80, v5, vm0, $0xb8;
	[tilespmem:$0x1E200] =	vst v63  }
0x113: {  	s24 =	simm.s32 $0x13200  }
0x114: {  	[tilespmem:s24], [sflag:$0x4] =	stream.indirect_vreg.gather [hbm4b:s9+s5], $0x80, v4, vm0, $0xb8;
	[tilespmem:$0x1E200] =	vst v63  }
0x115: {  	v4 =	vld [tilespmem:$0x130];
	_ =	sdelay $0x4  }
0x116: {  	v5 =	vshrl.u32 v4, $0x3  }
0x117: {  	v5 =	vmul.u32 $0x18, v5  }
0x118: {  	v4 =	vand.u32 $0x7, v4  }
0x119: {  	v4 =	vor.u32 v4, v5  }
0x11a: {  	v5 =	vperm.xlane v4, v0;
	_ =	sdelay $0x1  }
0x11b: {  	v4 =	vperm.xlane v4, v2;
	v5 =	vadd.s32 v1, v5;
	_ =	sdelay $0x1  }
0x11c: {  	v4 =	vadd.s32 v1, v4;
	_ =	sdelay $0x1  }
0x11d: {  	s25 =	simm.s32 $0x13E00  }
0x11e: {  	[tilespmem:s25], [sflag:$0x4] =	stream.indirect_vreg.gather [hbm4b:s9+s5], $0x80, v5, vm0, $0xb8;
	[tilespmem:$0x1E200] =	vst v63  }
0x11f: {  	s26 =	simm.s32 $0x14A00  }
0x120: {  	[tilespmem:s26], [sflag:$0x4] =	stream.indirect_vreg.gather [hbm4b:s9+s5], $0x80, v4, vm0, $0xb8;
	[tilespmem:$0x1E200] =	vst v63  }
0x121: {  	v4 =	vld [tilespmem:$0x140];
	_ =	sdelay $0x4  }
0x122: {  	v5 =	vshrl.u32 v4, $0x3  }
0x123: {  	v5 =	vmul.u32 $0x18, v5  }
0x124: {  	v4 =	vand.u32 $0x7, v4  }
0x125: {  	v4 =	vor.u32 v4, v5  }
0x126: {  	v5 =	vperm.xlane v4, v0;
	_ =	sdelay $0x1  }
0x127: {  	v4 =	vperm.xlane v4, v2;
	v5 =	vadd.s32 v1, v5;
	_ =	sdelay $0x1  }
0x128: {  	v4 =	vadd.s32 v1, v4  }
0x129: {  	p0 =	sgt.u32 s22, $0x13D  }
0x12a: {  	s23 =	smul.u32 @!p0 $0x50, s22;
	s28 =	simm.s32 $0x15600  }
0x12b: {  	[tilespmem:s28], [sflag:$0x4] =	stream.indirect_vreg.gather [hbm4b:s9+s5], $0x80, v5, vm0, $0xb8;
	[tilespmem:$0x1E200] =	vst v63  }
0x12c: {  	s23 =	sadd.s32 @!p0 s23, s11;
	s29 =	simm.s32 $0x16200  }
0x12d: {  	[tilespmem:s29], [sflag:$0x4] =	stream.indirect_vreg.gather [hbm4b:s9+s5], $0x80, v4, vm0, $0xb8;
	[tilespmem:$0x1E200] =	vst v63  }
0x12e: {  	s23 =	sshrl.u32 @!p0 s23, $0x3;
	s24 =	simm.s32 $0x100;
	s25 =	simm.s32 $0x1BA00  }
0x12f: {  	[tilespmem:s25], [sflag:$0x4] =	stream.indirect.gather [hbm4b:s4+s12], $0x80, s24, s12, $0xb8;
	[tilespmem:$0x1E200] =	vst v63  }
0x130: {  	s23 =	sadd.s32 @!p0 s1, s23;
	s24 =	simm.s32 @!p0 $0x0  }
0x131: {  	[tilespmem:s24], [sflag:$0x1] =	stream.linear.gather @!p0 [hbm4b:s23+s24], $0x50, $0x38;
	[tilespmem:$0x1E200] =	vst v63  }
.LBB2_11:
0x132: {  	_ =	swait.ge [sflag:s18], $0x2800  }
0x133: {  	[sflag:s18] =	ssyncset.done $0x0  }
0x134: {  	[sflag:s18] =	ssyncadd.s32 $0xFFFFD800  }
0x135: {  	_ =	swait.ge [sflag:s18], $0x2800  }
0x136: {  	[sflag:s18] =	ssyncset.done $0x0  }
0x137: {  	[sflag:s18] =	ssyncadd.s32 $0xFFFFD800  }
0x138: {  	_ =	swait.ge [sflag:s18], $0x2800  }
0x139: {  	[sflag:s18] =	ssyncset.done $0x0  }
0x13a: {  	s24 =	simm.s32 $0x19220;
	[sflag:s18] =	ssyncadd.s32 $0xFFFFD800  }
0x13b: {  	s23 =	simm.s32 $0x0;
	v4 =	vld [tilespmem:s24+$0xFFFFFFE0]  }
0x13c: {  	s25 =	smul.u32 $0x3000, s23  }
0x13d: {  	s23 =	simm.s32 $0x0  }
0x13e: {  	s26 =	sand.u32 $0x380, s23;
	s25 =	sshra.s32 s25, $0x2  }
0x13f: {  	s25 =	sor.u32 s26, s25  }
0x140: {  	[tilespmem:s25+$0x8200] =	vst v4  }
0x141: {  	v5 =	vmov s23;
	v4 =	vld [tilespmem:s24+$0xFFFFFFF0]  }
0x142: {  	v6 =	vshrl.u32 v5, $0x3  }
0x143: {  	v5 =	vshll.u32 v5, $0x7;
	v6 =	vmul.u32 $0xC00, v6  }
0x144: {  	v5 =	vand.u32 $0x380, v5  }
0x145: {  	v5 =	vor.u32 v5, v6  }
0x146: {  	[tilespmem:s25+$0x8210] =	vst v4;
	v4 =	vor.u32 v3, v5  }
0x147: {  	v5 =	vld [tilespmem:s24+$0x0];
	v4 =	vadd.s32 $0x800, v4;
	_ =	sdelay $0x4  }
0x148: {  	s24 =	simm.s32 $0x192A0;
	[tilespmem:v4+s17+$0x0] =	vst.idx.msk $0xfff, v5  }
0x149: {  	s28 =	simm.s32 $0x0;
	s26 =	simm.s32 $0x2;
	s25 =	simm.s32 $0x1;
	v4 =	vld [tilespmem:s24+$0xFFFFFFE0]  }
.LBB2_12:
0x14a: {  	p0 =	sne.s32 s26, $0x4F;
	s28 =	smul.u32 $0x3000, s28  }
0x14b: {  	s23 =	sadd.s32 $0x80, s23  }
0x14c: {  	s29 =	sand.u32 $0x380, s23;
	s28 =	sshra.s32 s28, $0x2  }
0x14d: {  	s28 =	sor.u32 s29, s28  }
0x14e: {  	[tilespmem:s28+$0x8200] =	vst v4  }
0x14f: {  	v5 =	vmov s25;
	s25 =	smov.u32 s26;
	v4 =	vld [tilespmem:s24+$0xFFFFFFF0]  }
0x150: {  	v6 =	vshrl.u32 v5, $0x3  }
0x151: {  	v5 =	vshll.u32 v5, $0x7;
	v6 =	vmul.u32 $0xC00, v6  }
0x152: {  	v5 =	vand.u32 $0x380, v5  }
0x153: {  	v5 =	vor.u32 v5, v6  }
0x154: {  	[tilespmem:s28+$0x8210] =	vst v4;
	v4 =	vor.u32 v3, v5  }
0x155: {  	v5 =	vld [tilespmem:s24+$0x0];
	v4 =	vadd.s32 $0x800, v4;
	_ =	sdelay $0x1  }
.Ltmp7:
0x156: {  	(pc) =	sbr.rel @p0 .LBB2_12-.Ltmp7, $3  }
0x157: {  	_ =	sdelay $0x1  }
0x158: {  	s24 =	sadd.s32 $0x80, s24;
	[tilespmem:v4+s17+$0x0] =	vst.idx.msk $0xfff, v5  }
0x159: {  	s26 =	sadd.s32 $0x1, s26;
	s28 =	sshrl.u32 s25, $0x3;
	v4 =	vld [tilespmem:s24+$0xFFFFFFE0]  }
0x15a: {  	s26 =	smul.u32 $0x3000, s28  }
0x15b: {  	s23 =	sadd.s32 $0x80, s23  }
0x15c: {  	s23 =	sand.u32 $0x380, s23;
	s26 =	sshra.s32 s26, $0x2  }
0x15d: {  	s23 =	sor.u32 s23, s26  }
0x15e: {  	[tilespmem:s23+$0x8200] =	vst v4  }
0x15f: {  	v5 =	vmov s25;
	v4 =	vld [tilespmem:s24+$0xFFFFFFF0]  }
0x160: {  	v6 =	vshrl.u32 v5, $0x3  }
0x161: {  	v5 =	vshll.u32 v5, $0x7;
	v6 =	vmul.u32 $0xC00, v6  }
0x162: {  	v5 =	vand.u32 $0x380, v5  }
0x163: {  	v5 =	vor.u32 v5, v6  }
0x164: {  	s29 =	smul.u32 $0x50, s22;
	[tilespmem:s23+$0x8210] =	vst v4;
	v4 =	vor.u32 v3, v5  }
0x165: {  	v5 =	vld [tilespmem:s24+$0x0];
	v4 =	vadd.s32 $0x800, v4  }
0x166: {  	s23 =	sadd.s32 s6, s29  }
.Ltmp8:
0x167: {  	s23 =	sshrl.u32 s23, $0x3;
	(pc) =	sbr.rel .LBB2_19-.Ltmp8, $3  }
0x168: {  	s23 =	smul.u32 $0x180, s23;
	_ =	sdelay $0x1  }
0x169: {  	s23 =	sadd.s32 s7, s23;
	[tilespmem:v4+s17+$0x0] =	vst.idx.msk $0xfff, v5  }
0x16a: {  	[hbm4b:s23+s5] =	stream.linear.scatter [tilespmem:s17], [sflag:$0x6], $0x7800, $0x38;
	[tilespmem:$0x1E200] =	vst v63  }
.LBB2_14:
.Ltmp9:
0x16b: {  	(pc) =	sbr.rel @p0 .LBB2_16-.Ltmp9, $1  }
0x16c: {  	_ =	sdelay $0x3  }
0x16d: {  	_ =	swait.ge [sflag:s13], $0x50  }
0x16e: {  	p0 =	slt.u32 s22, $0x2;
	[sflag:s13] =	ssyncset.done $0x0  }
0x16f: {  	s23 =	simm.s32 @!p0 $0x6;
	[sflag:s13] =	ssyncadd.s32 $0xFFFFFFB0  }
0x170: {  	_ =	swait.ge @!p0 [sflag:s23], $0x7800  }
0x171: {  	[sflag:s23] =	ssyncset.done @!p0 $0x0  }
0x172: {  	[sflag:s23] =	ssyncadd.s32 @!p0 $0xFFFF8800  }
0x173: {  	v4 =	vld [tilespmem:$0x80];
	_ =	sdelay $0x4  }
0x174: {  	v5 =	vshrl.u32 v4, $0x3  }
0x175: {  	v5 =	vmul.u32 $0x18, v5  }
0x176: {  	v4 =	vand.u32 $0x7, v4  }
0x177: {  	v4 =	vor.u32 v4, v5  }
0x178: {  	v5 =	vperm.xlane v4, v0;
	_ =	sdelay $0x1  }
0x179: {  	v4 =	vperm.xlane v4, v2;
	v5 =	vadd.s32 v1, v5;
	_ =	sdelay $0x1  }
0x17a: {  	v4 =	vadd.s32 v1, v4;
	_ =	sdelay $0x2  }
0x17b: {  	[tilespmem:s17], [sflag:$0x3] =	stream.indirect_vreg.gather [hbm4b:s2+s5], $0x80, v5, vm0, $0xb8;
	[tilespmem:$0x1E200] =	vst v63  }
0x17c: {  	s25 =	simm.s32 $0x8600  }
0x17d: {  	[tilespmem:s25], [sflag:$0x3] =	stream.indirect_vreg.gather [hbm4b:s2+s5], $0x80, v4, vm0, $0xb8;
	[tilespmem:$0x1E200] =	vst v63  }
0x17e: {  	v4 =	vld [tilespmem:$0x90];
	_ =	sdelay $0x4  }
0x17f: {  	v5 =	vshrl.u32 v4, $0x3  }
0x180: {  	v5 =	vmul.u32 $0x18, v5  }
0x181: {  	v4 =	vand.u32 $0x7, v4  }
0x182: {  	v4 =	vor.u32 v4, v5  }
0x183: {  	v5 =	vperm.xlane v4, v0;
	_ =	sdelay $0x1  }
0x184: {  	v4 =	vperm.xlane v4, v2;
	v5 =	vadd.s32 v1, v5;
	_ =	sdelay $0x1  }
0x185: {  	v4 =	vadd.s32 v1, v4;
	_ =	sdelay $0x1  }
0x186: {  	s26 =	simm.s32 $0x9200  }
0x187: {  	[tilespmem:s26], [sflag:$0x3] =	stream.indirect_vreg.gather [hbm4b:s2+s5], $0x80, v5, vm0, $0xb8;
	[tilespmem:$0x1E200] =	vst v63  }
0x188: {  	s28 =	simm.s32 $0x9E00  }
0x189: {  	[tilespmem:s28], [sflag:$0x3] =	stream.indirect_vreg.gather [hbm4b:s2+s5], $0x80, v4, vm0, $0xb8;
	[tilespmem:$0x1E200] =	vst v63  }
0x18a: {  	v4 =	vld [tilespmem:$0xA0];
	_ =	sdelay $0x4  }
0x18b: {  	v5 =	vshrl.u32 v4, $0x3  }
0x18c: {  	v5 =	vmul.u32 $0x18, v5  }
0x18d: {  	v4 =	vand.u32 $0x7, v4  }
0x18e: {  	v4 =	vor.u32 v4, v5  }
0x18f: {  	v5 =	vperm.xlane v4, v0;
	_ =	sdelay $0x1  }
0x190: {  	v4 =	vperm.xlane v4, v2;
	v5 =	vadd.s32 v1, v5;
	_ =	sdelay $0x1  }
0x191: {  	v4 =	vadd.s32 v1, v4;
	_ =	sdelay $0x1  }
0x192: {  	s29 =	simm.s32 $0xAA00  }
0x193: {  	[tilespmem:s29], [sflag:$0x3] =	stream.indirect_vreg.gather [hbm4b:s2+s5], $0x80, v5, vm0, $0xb8;
	[tilespmem:$0x1E200] =	vst v63  }
0x194: {  	s24 =	simm.s32 $0xB600  }
0x195: {  	[tilespmem:s24], [sflag:$0x3] =	stream.indirect_vreg.gather [hbm4b:s2+s5], $0x80, v4, vm0, $0xb8;
	[tilespmem:$0x1E200] =	vst v63  }
0x196: {  	v4 =	vld [tilespmem:$0xB0];
	_ =	sdelay $0x4  }
0x197: {  	v5 =	vshrl.u32 v4, $0x3  }
0x198: {  	v5 =	vmul.u32 $0x18, v5  }
0x199: {  	v4 =	vand.u32 $0x7, v4  }
0x19a: {  	v4 =	vor.u32 v4, v5  }
0x19b: {  	v5 =	vperm.xlane v4, v0;
	_ =	sdelay $0x1  }
0x19c: {  	v4 =	vperm.xlane v4, v2;
	v5 =	vadd.s32 v1, v5;
	_ =	sdelay $0x1  }
0x19d: {  	v4 =	vadd.s32 v1, v4;
	_ =	sdelay $0x1  }
0x19e: {  	s25 =	simm.s32 $0xC200  }
0x19f: {  	[tilespmem:s25], [sflag:$0x3] =	stream.indirect_vreg.gather [hbm4b:s2+s5], $0x80, v5, vm0, $0xb8;
	[tilespmem:$0x1E200] =	vst v63  }
0x1a0: {  	s26 =	simm.s32 $0xCE00  }
0x1a1: {  	[tilespmem:s26], [sflag:$0x3] =	stream.indirect_vreg.gather [hbm4b:s2+s5], $0x80, v4, vm0, $0xb8;
	[tilespmem:$0x1E200] =	vst v63  }
0x1a2: {  	v4 =	vld [tilespmem:$0xC0];
	_ =	sdelay $0x4  }
0x1a3: {  	v5 =	vshrl.u32 v4, $0x3  }
0x1a4: {  	v5 =	vmul.u32 $0x18, v5  }
0x1a5: {  	v4 =	vand.u32 $0x7, v4  }
0x1a6: {  	v4 =	vor.u32 v4, v5  }
0x1a7: {  	v5 =	vperm.xlane v4, v0;
	_ =	sdelay $0x1  }
0x1a8: {  	v4 =	vperm.xlane v4, v2;
	v5 =	vadd.s32 v1, v5;
	_ =	sdelay $0x1  }
0x1a9: {  	v4 =	vadd.s32 v1, v4;
	_ =	sdelay $0x1  }
0x1aa: {  	s28 =	simm.s32 $0xDA00  }
0x1ab: {  	[tilespmem:s28], [sflag:$0x3] =	stream.indirect_vreg.gather [hbm4b:s2+s5], $0x80, v5, vm0, $0xb8;
	[tilespmem:$0x1E200] =	vst v63  }
0x1ac: {  	s29 =	simm.s32 $0xE600  }
0x1ad: {  	[tilespmem:s29], [sflag:$0x3] =	stream.indirect_vreg.gather [hbm4b:s2+s5], $0x80, v4, vm0, $0xb8;
	[tilespmem:$0x1E200] =	vst v63  }
0x1ae: {  	v4 =	vld [tilespmem:$0x80];
	_ =	sdelay $0x4  }
0x1af: {  	v5 =	vshrl.u32 v4, $0x3  }
0x1b0: {  	v5 =	vmul.u32 $0x18, v5  }
0x1b1: {  	v4 =	vand.u32 $0x7, v4  }
0x1b2: {  	v4 =	vor.u32 v4, v5  }
0x1b3: {  	v5 =	vperm.xlane v4, v0;
	_ =	sdelay $0x1  }
0x1b4: {  	v4 =	vperm.xlane v4, v2;
	v5 =	vadd.s32 v1, v5;
	_ =	sdelay $0x1  }
0x1b5: {  	v4 =	vadd.s32 v1, v4;
	_ =	sdelay $0x1  }
0x1b6: {  	s24 =	simm.s32 $0x7E00  }
0x1b7: {  	[tilespmem:s24], [sflag:$0x3] =	stream.indirect_vreg.gather [hbm4b:s9+s5], $0x80, v5, vm0, $0xb8;
	[tilespmem:$0x1E200] =	vst v63  }
0x1b8: {  	s25 =	simm.s32 $0x8A00  }
0x1b9: {  	[tilespmem:s25], [sflag:$0x3] =	stream.indirect_vreg.gather [hbm4b:s9+s5], $0x80, v4, vm0, $0xb8;
	[tilespmem:$0x1E200] =	vst v63  }
0x1ba: {  	v4 =	vld [tilespmem:$0x90];
	_ =	sdelay $0x4  }
0x1bb: {  	v5 =	vshrl.u32 v4, $0x3  }
0x1bc: {  	v5 =	vmul.u32 $0x18, v5  }
0x1bd: {  	v4 =	vand.u32 $0x7, v4  }
0x1be: {  	v4 =	vor.u32 v4, v5  }
0x1bf: {  	v5 =	vperm.xlane v4, v0;
	_ =	sdelay $0x1  }
0x1c0: {  	v4 =	vperm.xlane v4, v2;
	v5 =	vadd.s32 v1, v5;
	_ =	sdelay $0x1  }
0x1c1: {  	v4 =	vadd.s32 v1, v4;
	_ =	sdelay $0x1  }
0x1c2: {  	s26 =	simm.s32 $0x9600  }
0x1c3: {  	[tilespmem:s26], [sflag:$0x3] =	stream.indirect_vreg.gather [hbm4b:s9+s5], $0x80, v5, vm0, $0xb8;
	[tilespmem:$0x1E200] =	vst v63  }
0x1c4: {  	s28 =	simm.s32 $0xA200  }
0x1c5: {  	[tilespmem:s28], [sflag:$0x3] =	stream.indirect_vreg.gather [hbm4b:s9+s5], $0x80, v4, vm0, $0xb8;
	[tilespmem:$0x1E200] =	vst v63  }
0x1c6: {  	v4 =	vld [tilespmem:$0xA0];
	_ =	sdelay $0x4  }
0x1c7: {  	v5 =	vshrl.u32 v4, $0x3  }
0x1c8: {  	v5 =	vmul.u32 $0x18, v5  }
0x1c9: {  	v4 =	vand.u32 $0x7, v4  }
0x1ca: {  	v4 =	vor.u32 v4, v5  }
0x1cb: {  	v5 =	vperm.xlane v4, v0;
	_ =	sdelay $0x1  }
0x1cc: {  	v4 =	vperm.xlane v4, v2;
	v5 =	vadd.s32 v1, v5;
	_ =	sdelay $0x1  }
0x1cd: {  	v4 =	vadd.s32 v1, v4;
	_ =	sdelay $0x1  }
0x1ce: {  	s29 =	simm.s32 $0xAE00  }
0x1cf: {  	[tilespmem:s29], [sflag:$0x3] =	stream.indirect_vreg.gather [hbm4b:s9+s5], $0x80, v5, vm0, $0xb8;
	[tilespmem:$0x1E200] =	vst v63  }
0x1d0: {  	s24 =	simm.s32 $0xBA00  }
0x1d1: {  	[tilespmem:s24], [sflag:$0x3] =	stream.indirect_vreg.gather [hbm4b:s9+s5], $0x80, v4, vm0, $0xb8;
	[tilespmem:$0x1E200] =	vst v63  }
0x1d2: {  	v4 =	vld [tilespmem:$0xB0];
	_ =	sdelay $0x4  }
0x1d3: {  	v5 =	vshrl.u32 v4, $0x3  }
0x1d4: {  	v5 =	vmul.u32 $0x18, v5  }
0x1d5: {  	v4 =	vand.u32 $0x7, v4  }
0x1d6: {  	v4 =	vor.u32 v4, v5  }
0x1d7: {  	v5 =	vperm.xlane v4, v0;
	_ =	sdelay $0x1  }
0x1d8: {  	v4 =	vperm.xlane v4, v2;
	v5 =	vadd.s32 v1, v5;
	_ =	sdelay $0x1  }
0x1d9: {  	v4 =	vadd.s32 v1, v4;
	_ =	sdelay $0x1  }
0x1da: {  	s25 =	simm.s32 $0xC600  }
0x1db: {  	[tilespmem:s25], [sflag:$0x3] =	stream.indirect_vreg.gather [hbm4b:s9+s5], $0x80, v5, vm0, $0xb8;
	[tilespmem:$0x1E200] =	vst v63  }
0x1dc: {  	s26 =	simm.s32 $0xD200  }
0x1dd: {  	[tilespmem:s26], [sflag:$0x3] =	stream.indirect_vreg.gather [hbm4b:s9+s5], $0x80, v4, vm0, $0xb8;
	[tilespmem:$0x1E200] =	vst v63  }
0x1de: {  	v4 =	vld [tilespmem:$0xC0];
	_ =	sdelay $0x4  }
0x1df: {  	v5 =	vshrl.u32 v4, $0x3  }
0x1e0: {  	v5 =	vmul.u32 $0x18, v5  }
0x1e1: {  	v4 =	vand.u32 $0x7, v4  }
0x1e2: {  	v4 =	vor.u32 v4, v5  }
0x1e3: {  	v5 =	vperm.xlane v4, v0;
	_ =	sdelay $0x1  }
0x1e4: {  	v4 =	vperm.xlane v4, v2;
	v5 =	vadd.s32 v1, v5;
	_ =	sdelay $0x1  }
0x1e5: {  	v4 =	vadd.s32 v1, v4  }
0x1e6: {  	p0 =	sgt.u32 s22, $0x13D  }
0x1e7: {  	s23 =	smul.u32 @!p0 $0x50, s22;
	s28 =	simm.s32 $0xDE00  }
0x1e8: {  	[tilespmem:s28], [sflag:$0x3] =	stream.indirect_vreg.gather [hbm4b:s9+s5], $0x80, v5, vm0, $0xb8;
	[tilespmem:$0x1E200] =	vst v63  }
0x1e9: {  	s23 =	sadd.s32 @!p0 s23, s11;
	s29 =	simm.s32 $0xEA00  }
0x1ea: {  	[tilespmem:s29], [sflag:$0x3] =	stream.indirect_vreg.gather [hbm4b:s9+s5], $0x80, v4, vm0, $0xb8;
	[tilespmem:$0x1E200] =	vst v63  }
0x1eb: {  	s23 =	sshrl.u32 @!p0 s23, $0x3;
	s24 =	simm.s32 $0x19200  }
0x1ec: {  	[tilespmem:s24], [sflag:$0x3] =	stream.indirect.gather [hbm4b:s4+s12], $0x80, s15, s12, $0xb8;
	[tilespmem:$0x1E200] =	vst v63  }
0x1ed: {  	s23 =	sadd.s32 @!p0 s1, s23;
	s25 =	simm.s32 @!p0 $0x100;
	s24 =	simm.s32 @!p0 $0x0  }
0x1ee: {  	[tilespmem:s25], [sflag:$0x1] =	stream.linear.gather @!p0 [hbm4b:s23+s24], $0x50, $0x38;
	[tilespmem:$0x1E200] =	vst v63  }
.LBB2_16:
0x1ef: {  	_ =	swait.ge [sflag:s16], $0x2800  }
0x1f0: {  	[sflag:s16] =	ssyncset.done $0x0  }
0x1f1: {  	[sflag:s16] =	ssyncadd.s32 $0xFFFFD800  }
0x1f2: {  	_ =	swait.ge [sflag:s16], $0x2800  }
0x1f3: {  	[sflag:s16] =	ssyncset.done $0x0  }
0x1f4: {  	[sflag:s16] =	ssyncadd.s32 $0xFFFFD800  }
0x1f5: {  	_ =	swait.ge [sflag:s16], $0x2800  }
0x1f6: {  	[sflag:s16] =	ssyncset.done $0x0  }
0x1f7: {  	s24 =	simm.s32 $0x16A20;
	[sflag:s16] =	ssyncadd.s32 $0xFFFFD800  }
0x1f8: {  	s23 =	simm.s32 $0x0;
	v4 =	vld [tilespmem:s24+$0xFFFFFFE0]  }
0x1f9: {  	s25 =	smul.u32 $0x3000, s23  }
0x1fa: {  	s23 =	simm.s32 $0x0  }
0x1fb: {  	s26 =	sand.u32 $0x380, s23;
	s25 =	sshra.s32 s25, $0x2  }
0x1fc: {  	s25 =	sor.u32 s26, s25  }
0x1fd: {  	[tilespmem:s25+$0xA00] =	vst v4  }
0x1fe: {  	v5 =	vmov s23;
	v4 =	vld [tilespmem:s24+$0xFFFFFFF0]  }
0x1ff: {  	v6 =	vshrl.u32 v5, $0x3  }
0x200: {  	v5 =	vshll.u32 v5, $0x7;
	v6 =	vmul.u32 $0xC00, v6  }
0x201: {  	v5 =	vand.u32 $0x380, v5  }
0x202: {  	v5 =	vor.u32 v5, v6  }
0x203: {  	[tilespmem:s25+$0xA10] =	vst v4;
	v4 =	vor.u32 v3, v5  }
0x204: {  	v5 =	vld [tilespmem:s24+$0x0];
	v4 =	vadd.s32 $0x800, v4;
	_ =	sdelay $0x4  }
0x205: {  	s24 =	simm.s32 $0x16AA0;
	[tilespmem:v4+s14+$0x0] =	vst.idx.msk $0xfff, v5  }
0x206: {  	s28 =	simm.s32 $0x0;
	s26 =	simm.s32 $0x2;
	s25 =	simm.s32 $0x1;
	v4 =	vld [tilespmem:s24+$0xFFFFFFE0]  }
.LBB2_17:
0x207: {  	p0 =	sne.s32 s26, $0x4F;
	s28 =	smul.u32 $0x3000, s28  }
0x208: {  	s23 =	sadd.s32 $0x80, s23  }
0x209: {  	s29 =	sand.u32 $0x380, s23;
	s28 =	sshra.s32 s28, $0x2  }
0x20a: {  	s28 =	sor.u32 s29, s28  }
0x20b: {  	[tilespmem:s28+$0xA00] =	vst v4  }
0x20c: {  	v5 =	vmov s25;
	s25 =	smov.u32 s26;
	v4 =	vld [tilespmem:s24+$0xFFFFFFF0]  }
0x20d: {  	v6 =	vshrl.u32 v5, $0x3  }
0x20e: {  	v5 =	vshll.u32 v5, $0x7;
	v6 =	vmul.u32 $0xC00, v6  }
0x20f: {  	v5 =	vand.u32 $0x380, v5  }
0x210: {  	v5 =	vor.u32 v5, v6  }
0x211: {  	[tilespmem:s28+$0xA10] =	vst v4;
	v4 =	vor.u32 v3, v5  }
0x212: {  	v5 =	vld [tilespmem:s24+$0x0];
	v4 =	vadd.s32 $0x800, v4;
	_ =	sdelay $0x1  }
.Ltmp10:
0x213: {  	(pc) =	sbr.rel @p0 .LBB2_17-.Ltmp10, $3  }
0x214: {  	_ =	sdelay $0x1  }
0x215: {  	s24 =	sadd.s32 $0x80, s24;
	[tilespmem:v4+s14+$0x0] =	vst.idx.msk $0xfff, v5  }
0x216: {  	s26 =	sadd.s32 $0x1, s26;
	s28 =	sshrl.u32 s25, $0x3;
	v4 =	vld [tilespmem:s24+$0xFFFFFFE0]  }
0x217: {  	s26 =	smul.u32 $0x3000, s28  }
0x218: {  	s23 =	sadd.s32 $0x80, s23  }
0x219: {  	s23 =	sand.u32 $0x380, s23;
	s26 =	sshra.s32 s26, $0x2  }
0x21a: {  	s23 =	sor.u32 s23, s26  }
0x21b: {  	[tilespmem:s23+$0xA00] =	vst v4  }
0x21c: {  	v5 =	vmov s25;
	v4 =	vld [tilespmem:s24+$0xFFFFFFF0]  }
0x21d: {  	v6 =	vshrl.u32 v5, $0x3  }
0x21e: {  	v5 =	vshll.u32 v5, $0x7;
	v6 =	vmul.u32 $0xC00, v6  }
0x21f: {  	v5 =	vand.u32 $0x380, v5  }
0x220: {  	v5 =	vor.u32 v5, v6  }
0x221: {  	s29 =	smul.u32 $0x50, s22;
	[tilespmem:s23+$0xA10] =	vst v4;
	v4 =	vor.u32 v3, v5  }
0x222: {  	v5 =	vld [tilespmem:s24+$0x0];
	v4 =	vadd.s32 $0x800, v4  }
0x223: {  	s23 =	sadd.s32 s6, s29  }
.Ltmp11:
0x224: {  	s23 =	sshrl.u32 s23, $0x3;
	(pc) =	sbr.rel .LBB2_19-.Ltmp11, $3  }
0x225: {  	s23 =	smul.u32 $0x180, s23;
	_ =	sdelay $0x1  }
0x226: {  	s23 =	sadd.s32 s7, s23;
	[tilespmem:v4+s14+$0x0] =	vst.idx.msk $0xfff, v5  }
0x227: {  	[hbm4b:s23+s5] =	stream.linear.scatter [tilespmem:s14], [sflag:$0x5], $0x7800, $0x38;
	[tilespmem:$0x1E200] =	vst v63  }
.LBB2_4:
.Ltmp12:
0x228: {  	(pc) =	sbr.rel @p0 .LBB2_6-.Ltmp12, $1  }
0x229: {  	_ =	sdelay $0x3  }
0x22a: {  	_ =	swait.ge [sflag:s13], $0x50  }
0x22b: {  	p0 =	slt.u32 s22, $0x2;
	[sflag:s13] =	ssyncset.done $0x0  }
0x22c: {  	s23 =	simm.s32 @!p0 $0x5;
	[sflag:s13] =	ssyncadd.s32 $0xFFFFFFB0  }
0x22d: {  	_ =	swait.ge @!p0 [sflag:s23], $0x7800  }
0x22e: {  	[sflag:s23] =	ssyncset.done @!p0 $0x0  }
0x22f: {  	[sflag:s23] =	ssyncadd.s32 @!p0 $0xFFFF8800  }
0x230: {  	v4 =	vld [tilespmem:$0x0];
	_ =	sdelay $0x4  }
0x231: {  	v5 =	vshrl.u32 v4, $0x3  }
0x232: {  	v5 =	vmul.u32 $0x18, v5  }
0x233: {  	v4 =	vand.u32 $0x7, v4  }
0x234: {  	v4 =	vor.u32 v4, v5  }
0x235: {  	v5 =	vperm.xlane v4, v0;
	_ =	sdelay $0x1  }
0x236: {  	v4 =	vperm.xlane v4, v2;
	v5 =	vadd.s32 v1, v5;
	_ =	sdelay $0x1  }
0x237: {  	v4 =	vadd.s32 v1, v4;
	_ =	sdelay $0x2  }
0x238: {  	[tilespmem:s14], [sflag:$0x2] =	stream.indirect_vreg.gather [hbm4b:s2+s5], $0x80, v5, vm0, $0xb8;
	[tilespmem:$0x1E200] =	vst v63  }
0x239: {  	s25 =	simm.s32 $0xE00  }
0x23a: {  	[tilespmem:s25], [sflag:$0x2] =	stream.indirect_vreg.gather [hbm4b:s2+s5], $0x80, v4, vm0, $0xb8;
	[tilespmem:$0x1E200] =	vst v63  }
0x23b: {  	v4 =	vld [tilespmem:$0x10];
	_ =	sdelay $0x4  }
0x23c: {  	v5 =	vshrl.u32 v4, $0x3  }
0x23d: {  	v5 =	vmul.u32 $0x18, v5  }
0x23e: {  	v4 =	vand.u32 $0x7, v4  }
0x23f: {  	v4 =	vor.u32 v4, v5  }
0x240: {  	v5 =	vperm.xlane v4, v0;
	_ =	sdelay $0x1  }
0x241: {  	v4 =	vperm.xlane v4, v2;
	v5 =	vadd.s32 v1, v5;
	_ =	sdelay $0x1  }
0x242: {  	v4 =	vadd.s32 v1, v4;
	_ =	sdelay $0x1  }
0x243: {  	s26 =	simm.s32 $0x1A00  }
0x244: {  	[tilespmem:s26], [sflag:$0x2] =	stream.indirect_vreg.gather [hbm4b:s2+s5], $0x80, v5, vm0, $0xb8;
	[tilespmem:$0x1E200] =	vst v63  }
0x245: {  	s28 =	simm.s32 $0x2600  }
0x246: {  	[tilespmem:s28], [sflag:$0x2] =	stream.indirect_vreg.gather [hbm4b:s2+s5], $0x80, v4, vm0, $0xb8;
	[tilespmem:$0x1E200] =	vst v63  }
0x247: {  	v4 =	vld [tilespmem:$0x20];
	_ =	sdelay $0x4  }
0x248: {  	v5 =	vshrl.u32 v4, $0x3  }
0x249: {  	v5 =	vmul.u32 $0x18, v5  }
0x24a: {  	v4 =	vand.u32 $0x7, v4  }
0x24b: {  	v4 =	vor.u32 v4, v5  }
0x24c: {  	v5 =	vperm.xlane v4, v0;
	_ =	sdelay $0x1  }
0x24d: {  	v4 =	vperm.xlane v4, v2;
	v5 =	vadd.s32 v1, v5;
	_ =	sdelay $0x1  }
0x24e: {  	v4 =	vadd.s32 v1, v4;
	_ =	sdelay $0x1  }
0x24f: {  	s29 =	simm.s32 $0x3200  }
0x250: {  	[tilespmem:s29], [sflag:$0x2] =	stream.indirect_vreg.gather [hbm4b:s2+s5], $0x80, v5, vm0, $0xb8;
	[tilespmem:$0x1E200] =	vst v63  }
0x251: {  	s24 =	simm.s32 $0x3E00  }
0x252: {  	[tilespmem:s24], [sflag:$0x2] =	stream.indirect_vreg.gather [hbm4b:s2+s5], $0x80, v4, vm0, $0xb8;
	[tilespmem:$0x1E200] =	vst v63  }
0x253: {  	v4 =	vld [tilespmem:$0x30];
	_ =	sdelay $0x4  }
0x254: {  	v5 =	vshrl.u32 v4, $0x3  }
0x255: {  	v5 =	vmul.u32 $0x18, v5  }
0x256: {  	v4 =	vand.u32 $0x7, v4  }
0x257: {  	v4 =	vor.u32 v4, v5  }
0x258: {  	v5 =	vperm.xlane v4, v0;
	_ =	sdelay $0x1  }
0x259: {  	v4 =	vperm.xlane v4, v2;
	v5 =	vadd.s32 v1, v5;
	_ =	sdelay $0x1  }
0x25a: {  	v4 =	vadd.s32 v1, v4;
	_ =	sdelay $0x1  }
0x25b: {  	s25 =	simm.s32 $0x4A00  }
0x25c: {  	[tilespmem:s25], [sflag:$0x2] =	stream.indirect_vreg.gather [hbm4b:s2+s5], $0x80, v5, vm0, $0xb8;
	[tilespmem:$0x1E200] =	vst v63  }
0x25d: {  	s26 =	simm.s32 $0x5600  }
0x25e: {  	[tilespmem:s26], [sflag:$0x2] =	stream.indirect_vreg.gather [hbm4b:s2+s5], $0x80, v4, vm0, $0xb8;
	[tilespmem:$0x1E200] =	vst v63  }
0x25f: {  	v4 =	vld [tilespmem:$0x40];
	_ =	sdelay $0x4  }
0x260: {  	v5 =	vshrl.u32 v4, $0x3  }
0x261: {  	v5 =	vmul.u32 $0x18, v5  }
0x262: {  	v4 =	vand.u32 $0x7, v4  }
0x263: {  	v4 =	vor.u32 v4, v5  }
0x264: {  	v5 =	vperm.xlane v4, v0;
	_ =	sdelay $0x1  }
0x265: {  	v4 =	vperm.xlane v4, v2;
	v5 =	vadd.s32 v1, v5;
	_ =	sdelay $0x1  }
0x266: {  	v4 =	vadd.s32 v1, v4;
	_ =	sdelay $0x1  }
0x267: {  	s28 =	simm.s32 $0x6200  }
0x268: {  	[tilespmem:s28], [sflag:$0x2] =	stream.indirect_vreg.gather [hbm4b:s2+s5], $0x80, v5, vm0, $0xb8;
	[tilespmem:$0x1E200] =	vst v63  }
0x269: {  	s29 =	simm.s32 $0x6E00  }
0x26a: {  	[tilespmem:s29], [sflag:$0x2] =	stream.indirect_vreg.gather [hbm4b:s2+s5], $0x80, v4, vm0, $0xb8;
	[tilespmem:$0x1E200] =	vst v63  }
0x26b: {  	v4 =	vld [tilespmem:$0x0];
	_ =	sdelay $0x4  }
0x26c: {  	v5 =	vshrl.u32 v4, $0x3  }
0x26d: {  	v5 =	vmul.u32 $0x18, v5  }
0x26e: {  	v4 =	vand.u32 $0x7, v4  }
0x26f: {  	v4 =	vor.u32 v4, v5  }
0x270: {  	v5 =	vperm.xlane v4, v0;
	_ =	sdelay $0x1  }
0x271: {  	v4 =	vperm.xlane v4, v2;
	v5 =	vadd.s32 v1, v5;
	_ =	sdelay $0x1  }
0x272: {  	v4 =	vadd.s32 v1, v4;
	_ =	sdelay $0x1  }
0x273: {  	s24 =	simm.s32 $0x600  }
0x274: {  	[tilespmem:s24], [sflag:$0x2] =	stream.indirect_vreg.gather [hbm4b:s9+s5], $0x80, v5, vm0, $0xb8;
	[tilespmem:$0x1E200] =	vst v63  }
0x275: {  	s25 =	simm.s32 $0x1200  }
0x276: {  	[tilespmem:s25], [sflag:$0x2] =	stream.indirect_vreg.gather [hbm4b:s9+s5], $0x80, v4, vm0, $0xb8;
	[tilespmem:$0x1E200] =	vst v63  }
0x277: {  	v4 =	vld [tilespmem:$0x10];
	_ =	sdelay $0x4  }
0x278: {  	v5 =	vshrl.u32 v4, $0x3  }
0x279: {  	v5 =	vmul.u32 $0x18, v5  }
0x27a: {  	v4 =	vand.u32 $0x7, v4  }
0x27b: {  	v4 =	vor.u32 v4, v5  }
0x27c: {  	v5 =	vperm.xlane v4, v0;
	_ =	sdelay $0x1  }
0x27d: {  	v4 =	vperm.xlane v4, v2;
	v5 =	vadd.s32 v1, v5;
	_ =	sdelay $0x1  }
0x27e: {  	v4 =	vadd.s32 v1, v4;
	_ =	sdelay $0x1  }
0x27f: {  	s26 =	simm.s32 $0x1E00  }
0x280: {  	[tilespmem:s26], [sflag:$0x2] =	stream.indirect_vreg.gather [hbm4b:s9+s5], $0x80, v5, vm0, $0xb8;
	[tilespmem:$0x1E200] =	vst v63  }
0x281: {  	s28 =	simm.s32 $0x2A00  }
0x282: {  	[tilespmem:s28], [sflag:$0x2] =	stream.indirect_vreg.gather [hbm4b:s9+s5], $0x80, v4, vm0, $0xb8;
	[tilespmem:$0x1E200] =	vst v63  }
0x283: {  	v4 =	vld [tilespmem:$0x20];
	_ =	sdelay $0x4  }
0x284: {  	v5 =	vshrl.u32 v4, $0x3  }
0x285: {  	v5 =	vmul.u32 $0x18, v5  }
0x286: {  	v4 =	vand.u32 $0x7, v4  }
0x287: {  	v4 =	vor.u32 v4, v5  }
0x288: {  	v5 =	vperm.xlane v4, v0;
	_ =	sdelay $0x1  }
0x289: {  	v4 =	vperm.xlane v4, v2;
	v5 =	vadd.s32 v1, v5;
	_ =	sdelay $0x1  }
0x28a: {  	v4 =	vadd.s32 v1, v4;
	_ =	sdelay $0x1  }
0x28b: {  	s29 =	simm.s32 $0x3600  }
0x28c: {  	[tilespmem:s29], [sflag:$0x2] =	stream.indirect_vreg.gather [hbm4b:s9+s5], $0x80, v5, vm0, $0xb8;
	[tilespmem:$0x1E200] =	vst v63  }
0x28d: {  	_ = 	snop  }
0x28e: {  	[tilespmem:s30], [sflag:$0x2] =	stream.indirect_vreg.gather [hbm4b:s9+s5], $0x80, v4, vm0, $0xb8;
	[tilespmem:$0x1E200] =	vst v63  }
0x28f: {  	v4 =	vld [tilespmem:$0x30];
	_ =	sdelay $0x4  }
0x290: {  	v5 =	vshrl.u32 v4, $0x3  }
0x291: {  	v5 =	vmul.u32 $0x18, v5  }
0x292: {  	v4 =	vand.u32 $0x7, v4  }
0x293: {  	v4 =	vor.u32 v4, v5  }
0x294: {  	v5 =	vperm.xlane v4, v0;
	_ =	sdelay $0x1  }
0x295: {  	v4 =	vperm.xlane v4, v2;
	v5 =	vadd.s32 v1, v5;
	_ =	sdelay $0x1  }
0x296: {  	v4 =	vadd.s32 v1, v4;
	_ =	sdelay $0x2  }
0x297: {  	[tilespmem:s31], [sflag:$0x2] =	stream.indirect_vreg.gather [hbm4b:s9+s5], $0x80, v5, vm0, $0xb8;
	[tilespmem:$0x1E200] =	vst v63  }
0x298: {  	_ = 	snop  }
0x299: {  	[tilespmem:s3], [sflag:$0x2] =	stream.indirect_vreg.gather [hbm4b:s9+s5], $0x80, v4, vm0, $0xb8;
	[tilespmem:$0x1E200] =	vst v63  }
0x29a: {  	v4 =	vld [tilespmem:$0x40];
	_ =	sdelay $0x4  }
0x29b: {  	v5 =	vshrl.u32 v4, $0x3  }
0x29c: {  	v5 =	vmul.u32 $0x18, v5  }
0x29d: {  	v4 =	vand.u32 $0x7, v4  }
0x29e: {  	v4 =	vor.u32 v4, v5  }
0x29f: {  	v5 =	vperm.xlane v4, v0;
	_ =	sdelay $0x1  }
0x2a0: {  	v4 =	vperm.xlane v4, v2;
	v5 =	vadd.s32 v1, v5;
	_ =	sdelay $0x1  }
0x2a1: {  	v4 =	vadd.s32 v1, v4  }
0x2a2: {  	p0 =	sgt.u32 s22, $0x13D  }
0x2a3: {  	s23 =	smul.u32 @!p0 $0x50, s22  }
0x2a4: {  	[tilespmem:s0], [sflag:$0x2] =	stream.indirect_vreg.gather [hbm4b:s9+s5], $0x80, v5, vm0, $0xb8;
	[tilespmem:$0x1E200] =	vst v63  }
0x2a5: {  	s23 =	sadd.s32 @!p0 s23, s11  }
0x2a6: {  	[tilespmem:s10], [sflag:$0x2] =	stream.indirect_vreg.gather [hbm4b:s9+s5], $0x80, v4, vm0, $0xb8;
	[tilespmem:$0x1E200] =	vst v63  }
0x2a7: {  	s23 =	sshrl.u32 @!p0 s23, $0x3  }
0x2a8: {  	[tilespmem:s8], [sflag:$0x2] =	stream.indirect.gather [hbm4b:s4+s12], $0x80, s5, s12, $0xb8;
	[tilespmem:$0x1E200] =	vst v63  }
0x2a9: {  	s23 =	sadd.s32 @!p0 s1, s23;
	s24 =	simm.s32 @!p0 $0x0;
	s25 =	simm.s32 @!p0 $0x80  }
0x2aa: {  	[tilespmem:s25], [sflag:$0x1] =	stream.linear.gather @!p0 [hbm4b:s23+s24], $0x50, $0x38;
	[tilespmem:$0x1E200] =	vst v63  }
.LBB2_6:
0x2ab: {  	_ =	swait.ge [sflag:s20], $0x2800  }
0x2ac: {  	[sflag:s20] =	ssyncset.done $0x0  }
0x2ad: {  	[sflag:s20] =	ssyncadd.s32 $0xFFFFD800  }
0x2ae: {  	_ =	swait.ge [sflag:s20], $0x2800  }
0x2af: {  	[sflag:s20] =	ssyncset.done $0x0  }
0x2b0: {  	[sflag:s20] =	ssyncadd.s32 $0xFFFFD800  }
0x2b1: {  	_ =	swait.ge [sflag:s20], $0x2800  }
0x2b2: {  	[sflag:s20] =	ssyncset.done $0x0  }
0x2b3: {  	s24 =	simm.s32 $0x1BA20;
	[sflag:s20] =	ssyncadd.s32 $0xFFFFD800  }
0x2b4: {  	s23 =	simm.s32 $0x0;
	v4 =	vld [tilespmem:s24+$0xFFFFFFE0]  }
0x2b5: {  	s25 =	smul.u32 $0x3000, s23  }
0x2b6: {  	s23 =	simm.s32 $0x0  }
0x2b7: {  	s26 =	sand.u32 $0x380, s23;
	s25 =	sshra.s32 s25, $0x2  }
0x2b8: {  	s25 =	sor.u32 s26, s25  }
0x2b9: {  	[tilespmem:s25+$0xFA00] =	vst v4  }
0x2ba: {  	v5 =	vmov s23;
	v4 =	vld [tilespmem:s24+$0xFFFFFFF0]  }
0x2bb: {  	v6 =	vshrl.u32 v5, $0x3  }
0x2bc: {  	v5 =	vshll.u32 v5, $0x7;
	v6 =	vmul.u32 $0xC00, v6  }
0x2bd: {  	v5 =	vand.u32 $0x380, v5  }
0x2be: {  	v5 =	vor.u32 v5, v6  }
0x2bf: {  	[tilespmem:s25+$0xFA10] =	vst v4;
	v4 =	vor.u32 v3, v5  }
0x2c0: {  	v5 =	vld [tilespmem:s24+$0x0];
	v4 =	vadd.s32 $0x800, v4;
	_ =	sdelay $0x4  }
0x2c1: {  	s24 =	simm.s32 $0x1BAA0;
	[tilespmem:v4+s19+$0x0] =	vst.idx.msk $0xfff, v5  }
0x2c2: {  	s28 =	simm.s32 $0x0;
	s26 =	simm.s32 $0x2;
	s25 =	simm.s32 $0x1;
	v4 =	vld [tilespmem:s24+$0xFFFFFFE0]  }
.LBB2_7:
0x2c3: {  	p0 =	sne.s32 s26, $0x4F;
	s28 =	smul.u32 $0x3000, s28  }
0x2c4: {  	s23 =	sadd.s32 $0x80, s23  }
0x2c5: {  	s29 =	sand.u32 $0x380, s23;
	s28 =	sshra.s32 s28, $0x2  }
0x2c6: {  	s28 =	sor.u32 s29, s28  }
0x2c7: {  	[tilespmem:s28+$0xFA00] =	vst v4  }
0x2c8: {  	v5 =	vmov s25;
	s25 =	smov.u32 s26;
	v4 =	vld [tilespmem:s24+$0xFFFFFFF0]  }
0x2c9: {  	v6 =	vshrl.u32 v5, $0x3  }
0x2ca: {  	v5 =	vshll.u32 v5, $0x7;
	v6 =	vmul.u32 $0xC00, v6  }
0x2cb: {  	v5 =	vand.u32 $0x380, v5  }
0x2cc: {  	v5 =	vor.u32 v5, v6  }
0x2cd: {  	[tilespmem:s28+$0xFA10] =	vst v4;
	v4 =	vor.u32 v3, v5  }
0x2ce: {  	v5 =	vld [tilespmem:s24+$0x0];
	v4 =	vadd.s32 $0x800, v4;
	_ =	sdelay $0x1  }
.Ltmp13:
0x2cf: {  	(pc) =	sbr.rel @p0 .LBB2_7-.Ltmp13, $3  }
0x2d0: {  	_ =	sdelay $0x1  }
0x2d1: {  	s24 =	sadd.s32 $0x80, s24;
	[tilespmem:v4+s19+$0x0] =	vst.idx.msk $0xfff, v5  }
0x2d2: {  	s26 =	sadd.s32 $0x1, s26;
	s28 =	sshrl.u32 s25, $0x3;
	v4 =	vld [tilespmem:s24+$0xFFFFFFE0]  }
0x2d3: {  	s26 =	smul.u32 $0x3000, s28  }
0x2d4: {  	s23 =	sadd.s32 $0x80, s23  }
0x2d5: {  	s23 =	sand.u32 $0x380, s23;
	s26 =	sshra.s32 s26, $0x2  }
0x2d6: {  	s23 =	sor.u32 s23, s26  }
0x2d7: {  	[tilespmem:s23+$0xFA00] =	vst v4  }
0x2d8: {  	v5 =	vmov s25;
	v4 =	vld [tilespmem:s24+$0xFFFFFFF0]  }
0x2d9: {  	v6 =	vshrl.u32 v5, $0x3  }
0x2da: {  	v5 =	vshll.u32 v5, $0x7;
	v6 =	vmul.u32 $0xC00, v6  }
0x2db: {  	v5 =	vand.u32 $0x380, v5  }
0x2dc: {  	v5 =	vor.u32 v5, v6  }
0x2dd: {  	s29 =	smul.u32 $0x50, s22;
	[tilespmem:s23+$0xFA10] =	vst v4;
	v4 =	vor.u32 v3, v5  }
0x2de: {  	v5 =	vld [tilespmem:s24+$0x0];
	v4 =	vadd.s32 $0x800, v4  }
0x2df: {  	s23 =	sadd.s32 s6, s29  }
.Ltmp14:
0x2e0: {  	s23 =	sshrl.u32 s23, $0x3;
	(pc) =	sbr.rel .LBB2_19-.Ltmp14, $3  }
0x2e1: {  	s23 =	smul.u32 $0x180, s23;
	_ =	sdelay $0x1  }
0x2e2: {  	s23 =	sadd.s32 s7, s23;
	[tilespmem:v4+s19+$0x0] =	vst.idx.msk $0xfff, v5  }
0x2e3: {  	[hbm4b:s23+s5] =	stream.linear.scatter [tilespmem:s19], [sflag:$0x7], $0x7800, $0x38;
	[tilespmem:$0x1E200] =	vst v63  }
.LBB2_21:
0x2e4: {  	_ =	sfence.sel $0x180000  }
0x2e5: {  	[bflag:$0x0] =	sbarrier.arrive $0xFFFF  }
0x2e6: {  	_ =	strace $0x90000047  }
0x2e7: {  	s0 =	stileid.u32;
	[bflag:$0x2] =	sbarrier.arrive $0xFFFF  }
0x2e8: {  	p0 =	sne.s32 s0, $0x0;
	s0 =	rddreg [dreg:$0x4]  }
0x2e9: {  	s0 =	sadd.s32 @!p0 $0x100000, s0  }
0x2ea: {  	[sflag:s0] =	ssyncadd.tile.s32 @!p0 $0x1;
	_ =	shalt  }
.Lfunc_end2:
_tile_overlayer_lowered:
.L_overlay_start_2:
0x2eb: {  	(tag) =	ssettag $0x2  }
0x2ec: {  	s0 =	rddreg [dreg:$0x0];
	s2 =	stileid.u32  }
0x2ed: {  	s1 =	rddreg [dreg:$0x1];
	p0 =	sne.s32 s2, $0x0  }
0x2ee: {  	s3 =	rddreg [dreg:$0x2];
	[bflag:$0x3] =	sbarrier.arrive $0xFFFF;
	s2 =	simm.s32 @!p0 $0x1C08  }
0x2ef: {  	[timem:s3], [sflag:s2] =	dma.local @!p0 [hbm:s0], s1  }
0x2f0: {  	s0 =	simm.s32 @!p0 $0x8  }
0x2f1: {  	_ =	swait.ge @!p0 [sflag:s0], s1  }
0x2f2: {  	s1 =	ssub.s32 @!p0 $0x0, s1;
	[sflag:s0] =	ssyncset.done @!p0 $0x0  }
0x2f3: {  	[sflag:s0] =	ssyncadd.s32 @!p0 s1  }
0x2f4: {  	[bflag:$0x3] =	sbarrier.arrive $0xFFFF  }
0x2f5: {  	_ =	shalt  }

</sc_bundles>
